<compile_context>
chip_gen: v7x
topology: tpu7x:2x2x1
jax: 0.10.2.dev20260603
libtpu: 0.0.44.dev20260713+nightly
codegen_flags: <defaults>
</compile_context>

<pallas_src>
import jax
import jax.numpy as jnp
from jax import lax
from jax.experimental import pallas as pl
from jax.experimental.pallas import tpu as pltpu
from jax.experimental.pallas import tpu_sc as plsc

VOCAB = 100000
D_MODEL = 64
MAX_SEQ_LEN = 200
BATCH = 4096

N_TOKENS = BATCH * MAX_SEQ_LEN
NUM_CORES = 2
NUM_SUBCORES = 16
NUM_WORKERS = NUM_CORES * NUM_SUBCORES
PER_WORKER = N_TOKENS // NUM_WORKERS
CHUNK = 640
SUBGATHER = 128
N_SUB = CHUNK // SUBGATHER
N_CHUNKS = PER_WORKER // CHUNK
NBUF = 2
PE_ROWS = 160 + CHUNK


def _positional_encoding():
    even_i = jnp.arange(0, D_MODEL, 2).astype(jnp.float32)
    denominator = jnp.power(10000.0, even_i / D_MODEL)
    position = jnp.arange(0, MAX_SEQ_LEN).reshape(MAX_SEQ_LEN, 1).astype(jnp.float32)
    even_pe = jnp.sin(position / denominator)
    odd_pe = jnp.cos(position / denominator)
    pe = jnp.stack([even_pe, odd_pe], axis=2).reshape(MAX_SEQ_LEN, D_MODEL)
    return pe


def _sc_body(x_ref, table_ref, pe_ref, out_ref, idx_v, dest_v, pe_sh,
             gsem0, gsem1, osem0, osem1):
    gsem = (gsem0, gsem1)
    osem = (osem0, osem1)
    cid = lax.axis_index("c")
    sid = lax.axis_index("s")
    wid = sid * NUM_CORES + cid
    base = wid * PER_WORKER

    @pl.when(sid == 0)
    def _():
        pltpu.sync_copy(pe_ref, pe_sh)

    plsc.subcore_barrier()

    def out_copy(c, b):
        return pltpu.make_async_copy(
            dest_v.at[b], out_ref.at[pl.ds(base + c * CHUNK, CHUNK)],
            osem[b])

    def gather_copy(b, j):
        return pltpu.make_async_copy(
            table_ref.at[idx_v.at[b].at[pl.ds(j * SUBGATHER, SUBGATHER)]],
            dest_v.at[b].at[pl.ds(j * SUBGATHER, SUBGATHER)],
            gsem[b])

    def prep(c, b):
        pe_off = lax.rem(c * CHUNK, MAX_SEQ_LEN)
        pltpu.sync_copy(x_ref.at[pl.ds(base + c * CHUNK, CHUNK)],
                        idx_v.at[b])
        pltpu.sync_copy(pe_sh.at[pl.ds(pe_off, CHUNK)], dest_v.at[b])
        for j in range(N_SUB):
            gather_copy(b, j).start(add=True)

    def finish(c, b):
        for j in range(N_SUB):
            gather_copy(b, j).wait()
        out_copy(c, b).start()

    def slot(c, b):
        nb = 1 - b
        out_copy(c - 1, nb).wait()
        prep(c + 1, nb)
        finish(c, b)

    prep(0, 0)
    prep(1, 1)
    finish(0, 0)

    def step(i, carry):
        slot(2 * i + 1, 1)
        slot(2 * i + 2, 0)
        return carry

    lax.fori_loop(0, (N_CHUNKS - 2) // 2, step, 0)

    out_copy(N_CHUNKS - 2, 0).wait()
    finish(N_CHUNKS - 1, 1)
    out_copy(N_CHUNKS - 1, 1).wait()


@jax.jit
def kernel(x, table):
    pe = _positional_encoding()
    reps = (PE_ROWS + MAX_SEQ_LEN - 1) // MAX_SEQ_LEN
    pe_img = jnp.concatenate([pe] * reps, axis=0)[:PE_ROWS]
    x_flat = x.reshape(N_TOKENS)

    mesh = plsc.VectorSubcoreMesh(
        core_axis_name="c", subcore_axis_name="s", num_cores=NUM_CORES
    )
    run = pl.kernel(
        _sc_body,
        out_type=jax.ShapeDtypeStruct((N_TOKENS, D_MODEL), jnp.float32),
        mesh=mesh,
        compiler_params=pltpu.CompilerParams(use_tc_tiling_on_sc=False),
        scratch_types=[
            pltpu.VMEM((NBUF, CHUNK), jnp.int32),
            pltpu.VMEM((NBUF, CHUNK, D_MODEL), jnp.float32),
            pltpu.VMEM_SHARED((PE_ROWS, D_MODEL), jnp.float32),
            pltpu.SemaphoreType.DMA,
            pltpu.SemaphoreType.DMA,
            pltpu.SemaphoreType.DMA,
            pltpu.SemaphoreType.DMA,
        ],
    )
    out = run(x_flat, table, pe_img)
    return out.reshape(BATCH, MAX_SEQ_LEN, D_MODEL)

# --- scband reference (transcript-rebuilt; emitter-appended) ---
"""Pipeline reference for scband-sentence-embedding-44074954391808 (READ-ONLY COPY).

The authoritative reference and input builder live on the scoring server;
editing this copy changes nothing except your own understanding.
"""

import jax, jax.numpy as jnp
import numpy as np

VOCAB = 100000
D_MODEL = 64
MAX_SEQ_LEN = 200
BATCH = 4096


def positional_encoding():
    even_i = jnp.arange(0, D_MODEL, 2).astype(jnp.float32)
    denominator = jnp.power(10000.0, even_i / D_MODEL)
    position = jnp.arange(0, MAX_SEQ_LEN).reshape(MAX_SEQ_LEN, 1).astype(jnp.float32)
    even_PE = jnp.sin(position / denominator)
    odd_PE = jnp.cos(position / denominator)
    stacked = jnp.stack([even_PE, odd_PE], axis=2)
    PE = stacked.reshape(MAX_SEQ_LEN, D_MODEL)
    return PE


def setup_inputs(seed: int = 0) -> dict:
    key = jax.random.key(seed)
    k1, k2 = jax.random.split(key)
    x = jax.random.randint(k1, (BATCH, MAX_SEQ_LEN), 0, VOCAB, dtype=jnp.int32)
    table = jax.random.normal(k2, (VOCAB, D_MODEL), dtype=jnp.float32)
    return {"x": x, "table": table}


def reference(x, table):
    # embedding lookup (gather) -- token indices are pre-tokenized; the
    # original batchTokenize string path is replaced by direct int indices.
    emb = jnp.take(table, x, axis=0)
    pos = positional_encoding()
    return emb + pos[None, :, :]

if __name__ == "__main__":
    import jax
    _d = setup_inputs()
    print(jax.jit(kernel)(*tuple(_d.values())))

</pallas_src>

<mosaic_0001>
#map = affine_map<(d0, d1) -> (0)>
#map1 = affine_map<(d0, d1) -> (0, 0)>
module attributes {stable_mosaic.version = 14 : i64} {
  func.func @_sc_body(%arg0: i32, %arg1: i32, %arg2: memref<819200xi32, #tpu.memory_space<hbm>>, %arg3: memref<100000x64xf32, #tpu.memory_space<hbm>>, %arg4: memref<800x64xf32, #tpu.memory_space<hbm>>, %arg5: memref<819200x64xf32, #tpu.memory_space<hbm>>, %arg6: memref<2x640xi32, #tpu.memory_space<vmem>>, %arg7: memref<2x640x64xf32, #tpu.memory_space<vmem>>, %arg8: memref<800x64xf32, #tpu.memory_space<vmem_shared>>, %arg9: memref<!tpu.dma_semaphore, #tpu.memory_space<semaphore_mem>>, %arg10: memref<!tpu.dma_semaphore, #tpu.memory_space<semaphore_mem>>, %arg11: memref<!tpu.dma_semaphore, #tpu.memory_space<semaphore_mem>>, %arg12: memref<!tpu.dma_semaphore, #tpu.memory_space<semaphore_mem>>) attributes {dimension_semantics = [#tpu.dimension_semantics<core_parallel>, #tpu.dimension_semantics<subcore_parallel>], iteration_bounds = array<i64: 2, 16>, scalar_prefetch = 0 : i64, scratch_operands = 7 : i64, tpu.core_type = #tpu.core_type<sc_vector_subcore>, window_params = [{transform_indices = #map}, {transform_indices = #map1}, {transform_indices = #map1}, {transform_indices = #map1}]} {
    %mul3A = arith.constant 2 : i32
    %mul3A_0 = arith.muli %arg1, %mul3A : i32
    %add3A = arith.addi %mul3A_0, %arg0 : i32
    %mul3A_1 = arith.constant 25600 : i32
    %mul3A_2 = arith.muli %add3A, %mul3A_1 : i32
    %eq3A = arith.constant 0 : i32
    %eq3A_3 = arith.cmpi eq, %arg1, %eq3A : i32
    %convert_element_type3A = arith.extui %eq3A_3 : i1 to i32
    %cond3A = arith.constant 0 : i32
    %cond3A_4 = arith.cmpi ne, %convert_element_type3A, %cond3A : i32
    scf.if %cond3A_4 {
      "tpu.region"() ({
        %run_scoped3A_420 = tpu.sem_alloc : memref<!tpu.dma_semaphore, #tpu.memory_space<semaphore_mem>>
        tpu.enqueue_dma source(%arg4 : memref<800x64xf32, #tpu.memory_space<hbm>>) target(%arg8 : memref<800x64xf32, #tpu.memory_space<vmem_shared>>) target_semaphore(%run_scoped3A_420 : memref<!tpu.dma_semaphore, #tpu.memory_space<semaphore_mem>>)
        tpu.wait_dma2 semaphore(%run_scoped3A_420 : memref<!tpu.dma_semaphore, #tpu.memory_space<semaphore_mem>>) src(%arg4 : memref<800x64xf32, #tpu.memory_space<hbm>>) dst(%arg8 : memref<800x64xf32, #tpu.memory_space<vmem_shared>>)
        tpu.yield
      }) : () -> ()
    } else {
    }
    %barrier3A = arith.constant 0 : index
    tpu.barrier barrier_id(%barrier3A)
    %rem3A = arith.constant 0 : i32
    %rem3A_5 = arith.constant 200 : i32
    %rem3A_6 = arith.remsi %rem3A, %rem3A_5 : i32
    %add3A_7 = arith.constant 0 : i32
    %add3A_8 = arith.addi %mul3A_2, %add3A_7 : i32
    %run_scoped3A = arith.constant 0 : i32
    "tpu.region"() ({
      %run_scoped3A_420 = tpu.sem_alloc : memref<!tpu.dma_semaphore, #tpu.memory_space<semaphore_mem>>
      %dma_start3A_421 = arith.constant 0 : i32
      %dma_start3A_422 = tpu.memref_slice %arg6[%run_scoped3A, %dma_start3A_421] : memref<2x640xi32, #tpu.memory_space<vmem>> -> memref<1x640xi32, #tpu.memory_space<vmem>>
      %dma_start3A_423 = tpu.memref_squeeze %dma_start3A_422 : memref<1x640xi32, #tpu.memory_space<vmem>> -> memref<640xi32, #tpu.memory_space<vmem>>
      %dma_start3A_424 = tpu.memref_slice %arg2[%add3A_8] : memref<819200xi32, #tpu.memory_space<hbm>> -> memref<640xi32, #tpu.memory_space<hbm>>
      %dma_start3A_425 = arith.constant 0 : i32
      %dma_start3A_426 = tpu.memref_slice %arg6[%run_scoped3A, %dma_start3A_425] : memref<2x640xi32, #tpu.memory_space<vmem>> -> memref<1x640xi32, #tpu.memory_space<vmem>>
      %dma_start3A_427 = tpu.memref_squeeze %dma_start3A_426 : memref<1x640xi32, #tpu.memory_space<vmem>> -> memref<640xi32, #tpu.memory_space<vmem>>
      %dma_start3A_428 = tpu.memref_slice %arg2[%add3A_8] : memref<819200xi32, #tpu.memory_space<hbm>> -> memref<640xi32, #tpu.memory_space<hbm>>
      tpu.enqueue_dma source(%dma_start3A_428 : memref<640xi32, #tpu.memory_space<hbm>>) target(%dma_start3A_427 : memref<640xi32, #tpu.memory_space<vmem>>) target_semaphore(%run_scoped3A_420 : memref<!tpu.dma_semaphore, #tpu.memory_space<semaphore_mem>>)
      %dma_wait3A_429 = arith.constant 0 : i32
      %dma_wait3A_430 = tpu.memref_slice %arg6[%run_scoped3A, %dma_wait3A_429] : memref<2x640xi32, #tpu.memory_space<vmem>> -> memref<1x640xi32, #tpu.memory_space<vmem>>
      %dma_wait3A_431 = tpu.memref_squeeze %dma_wait3A_430 : memref<1x640xi32, #tpu.memory_space<vmem>> -> memref<640xi32, #tpu.memory_space<vmem>>
      %dma_wait3A_432 = tpu.memref_slice %arg2[%add3A_8] : memref<819200xi32, #tpu.memory_space<hbm>> -> memref<640xi32, #tpu.memory_space<hbm>>
      %dma_wait3A_433 = arith.constant 0 : i32
      %dma_wait3A_434 = tpu.memref_slice %arg6[%run_scoped3A, %dma_wait3A_433] : memref<2x640xi32, #tpu.memory_space<vmem>> -> memref<1x640xi32, #tpu.memory_space<vmem>>
      %dma_wait3A_435 = tpu.memref_squeeze %dma_wait3A_434 : memref<1x640xi32, #tpu.memory_space<vmem>> -> memref<640xi32, #tpu.memory_space<vmem>>
      %dma_wait3A_436 = tpu.memref_slice %arg2[%add3A_8] : memref<819200xi32, #tpu.memory_space<hbm>> -> memref<640xi32, #tpu.memory_space<hbm>>
      tpu.wait_dma2 semaphore(%run_scoped3A_420 : memref<!tpu.dma_semaphore, #tpu.memory_space<semaphore_mem>>) src(%dma_wait3A_436 : memref<640xi32, #tpu.memory_space<hbm>>) dst(%dma_wait3A_435 : memref<640xi32, #tpu.memory_space<vmem>>)
      tpu.yield
    }) : () -> ()
    %run_scoped3A_9 = arith.constant 0 : i32
    "tpu.region"() ({
      %run_scoped3A_420 = tpu.sem_alloc : memref<!tpu.dma_semaphore, #tpu.memory_space<semaphore_mem>>
      %dma_start3A_421 = arith.constant 0 : i32
      %dma_start3A_422 = arith.constant 0 : i32
      %dma_start3A_423 = tpu.memref_slice %arg7[%run_scoped3A_9, %dma_start3A_421, %dma_start3A_422] : memref<2x640x64xf32, #tpu.memory_space<vmem>> -> memref<1x640x64xf32, #tpu.memory_space<vmem>>
      %dma_start3A_424 = tpu.memref_squeeze %dma_start3A_423 : memref<1x640x64xf32, #tpu.memory_space<vmem>> -> memref<640x64xf32, #tpu.memory_space<vmem>>
      %dma_start3A_425 = arith.constant 0 : i32
      %dma_start3A_426 = tpu.memref_slice %arg8[%rem3A_6, %dma_start3A_425] : memref<800x64xf32, #tpu.memory_space<vmem_shared>> -> memref<640x64xf32, #tpu.memory_space<vmem_shared>>
      %dma_start3A_427 = arith.constant 0 : i32
      %dma_start3A_428 = arith.constant 0 : i32
      %dma_start3A_429 = tpu.memref_slice %arg7[%run_scoped3A_9, %dma_start3A_427, %dma_start3A_428] : memref<2x640x64xf32, #tpu.memory_space<vmem>> -> memref<1x640x64xf32, #tpu.memory_space<vmem>>
      %dma_start3A_430 = tpu.memref_squeeze %dma_start3A_429 : memref<1x640x64xf32, #tpu.memory_space<vmem>> -> memref<640x64xf32, #tpu.memory_space<vmem>>
      %dma_start3A_431 = arith.constant 0 : i32
      %dma_start3A_432 = tpu.memref_slice %arg8[%rem3A_6, %dma_start3A_431] : memref<800x64xf32, #tpu.memory_space<vmem_shared>> -> memref<640x64xf32, #tpu.memory_space<vmem_shared>>
      tpu.enqueue_dma source(%dma_start3A_432 : memref<640x64xf32, #tpu.memory_space<vmem_shared>>) target(%dma_start3A_430 : memref<640x64xf32, #tpu.memory_space<vmem>>) target_semaphore(%run_scoped3A_420 : memref<!tpu.dma_semaphore, #tpu.memory_space<semaphore_mem>>)
      %dma_wait3A_433 = arith.constant 0 : i32
      %dma_wait3A_434 = arith.constant 0 : i32
      %dma_wait3A_435 = tpu.memref_slice %arg7[%run_scoped3A_9, %dma_wait3A_433, %dma_wait3A_434] : memref<2x640x64xf32, #tpu.memory_space<vmem>> -> memref<1x640x64xf32, #tpu.memory_space<vmem>>
      %dma_wait3A_436 = tpu.memref_squeeze %dma_wait3A_435 : memref<1x640x64xf32, #tpu.memory_space<vmem>> -> memref<640x64xf32, #tpu.memory_space<vmem>>
      %dma_wait3A_437 = arith.constant 0 : i32
      %dma_wait3A_438 = tpu.memref_slice %arg8[%rem3A_6, %dma_wait3A_437] : memref<800x64xf32, #tpu.memory_space<vmem_shared>> -> memref<640x64xf32, #tpu.memory_space<vmem_shared>>
      %dma_wait3A_439 = arith.constant 0 : i32
      %dma_wait3A_440 = arith.constant 0 : i32
      %dma_wait3A_441 = tpu.memref_slice %arg7[%run_scoped3A_9, %dma_wait3A_439, %dma_wait3A_440] : memref<2x640x64xf32, #tpu.memory_space<vmem>> -> memref<1x640x64xf32, #tpu.memory_space<vmem>>
      %dma_wait3A_442 = tpu.memref_squeeze %dma_wait3A_441 : memref<1x640x64xf32, #tpu.memory_space<vmem>> -> memref<640x64xf32, #tpu.memory_space<vmem>>
      %dma_wait3A_443 = arith.constant 0 : i32
      %dma_wait3A_444 = tpu.memref_slice %arg8[%rem3A_6, %dma_wait3A_443] : memref<800x64xf32, #tpu.memory_space<vmem_shared>> -> memref<640x64xf32, #tpu.memory_space<vmem_shared>>
      tpu.wait_dma2 semaphore(%run_scoped3A_420 : memref<!tpu.dma_semaphore, #tpu.memory_space<semaphore_mem>>) src(%dma_wait3A_444 : memref<640x64xf32, #tpu.memory_space<vmem_shared>>) dst(%dma_wait3A_442 : memref<640x64xf32, #tpu.memory_space<vmem>>)
      tpu.yield
    }) : () -> ()
    %dma_start3A = arith.constant 0 : i32
    %dma_start3A_10 = arith.constant 0 : i32
    %dma_start3A_11 = arith.constant 0 : i32
    %dma_start3A_12 = arith.constant 0 : i32
    %dma_start3A_13 = tpu.memref_slice %arg7[%dma_start3A_10, %dma_start3A_11, %dma_start3A_12] : memref<2x640x64xf32, #tpu.memory_space<vmem>> -> memref<1x640x64xf32, #tpu.memory_space<vmem>>
    %dma_start3A_14 = tpu.memref_squeeze %dma_start3A_13 : memref<1x640x64xf32, #tpu.memory_space<vmem>> -> memref<640x64xf32, #tpu.memory_space<vmem>>
    %dma_start3A_15 = arith.constant 0 : i32
    %dma_start3A_16 = arith.constant 0 : i32
    %dma_start3A_17 = tpu.memref_slice %dma_start3A_14[%dma_start3A_15, %dma_start3A_16] : memref<640x64xf32, #tpu.memory_space<vmem>> -> memref<128x64xf32, #tpu.memory_space<vmem>>
    %dma_start3A_18 = arith.constant 0 : i32
    %dma_start3A_19 = tpu.memref_slice %arg6[%dma_start3A, %dma_start3A_18] : memref<2x640xi32, #tpu.memory_space<vmem>> -> memref<1x640xi32, #tpu.memory_space<vmem>>
    %dma_start3A_20 = tpu.memref_squeeze %dma_start3A_19 : memref<1x640xi32, #tpu.memory_space<vmem>> -> memref<640xi32, #tpu.memory_space<vmem>>
    %dma_start3A_21 = arith.constant 0 : i32
    %dma_start3A_22 = tpu.memref_slice %dma_start3A_20[%dma_start3A_21] : memref<640xi32, #tpu.memory_space<vmem>> -> memref<128xi32, #tpu.memory_space<vmem>>
    %dma_start3A_23 = arith.constant 0 : i32
    %dma_start3A_24 = arith.constant 0 : i32
    %dma_start3A_25 = tpu.memref_slice %arg3[%dma_start3A_23, %dma_start3A_24] : memref<100000x64xf32, #tpu.memory_space<hbm>> -> memref<100000x64xf32, #tpu.memory_space<hbm>>
    tpu.enqueue_indirect_dma source(%dma_start3A_25 : memref<100000x64xf32, #tpu.memory_space<hbm>>) target(%dma_start3A_17 : memref<128x64xf32, #tpu.memory_space<vmem>>) offsets(%dma_start3A_22 : memref<128xi32, #tpu.memory_space<vmem>>) semaphore(%arg9 : memref<!tpu.dma_semaphore, #tpu.memory_space<semaphore_mem>>) {add = true}
    %dma_start3A_26 = arith.constant 0 : i32
    %dma_start3A_27 = arith.constant 0 : i32
    %dma_start3A_28 = arith.constant 0 : i32
    %dma_start3A_29 = arith.constant 0 : i32
    %dma_start3A_30 = tpu.memref_slice %arg7[%dma_start3A_27, %dma_start3A_28, %dma_start3A_29] : memref<2x640x64xf32, #tpu.memory_space<vmem>> -> memref<1x640x64xf32, #tpu.memory_space<vmem>>
    %dma_start3A_31 = tpu.memref_squeeze %dma_start3A_30 : memref<1x640x64xf32, #tpu.memory_space<vmem>> -> memref<640x64xf32, #tpu.memory_space<vmem>>
    %dma_start3A_32 = arith.constant 128 : i32
    %dma_start3A_33 = arith.constant 0 : i32
    %dma_start3A_34 = tpu.memref_slice %dma_start3A_31[%dma_start3A_32, %dma_start3A_33] : memref<640x64xf32, #tpu.memory_space<vmem>> -> memref<128x64xf32, #tpu.memory_space<vmem>>
    %dma_start3A_35 = arith.constant 0 : i32
    %dma_start3A_36 = tpu.memref_slice %arg6[%dma_start3A_26, %dma_start3A_35] : memref<2x640xi32, #tpu.memory_space<vmem>> -> memref<1x640xi32, #tpu.memory_space<vmem>>
    %dma_start3A_37 = tpu.memref_squeeze %dma_start3A_36 : memref<1x640xi32, #tpu.memory_space<vmem>> -> memref<640xi32, #tpu.memory_space<vmem>>
    %dma_start3A_38 = arith.constant 128 : i32
    %dma_start3A_39 = tpu.memref_slice %dma_start3A_37[%dma_start3A_38] : memref<640xi32, #tpu.memory_space<vmem>> -> memref<128xi32, #tpu.memory_space<vmem>>
    %dma_start3A_40 = arith.constant 0 : i32
    %dma_start3A_41 = arith.constant 0 : i32
    %dma_start3A_42 = tpu.memref_slice %arg3[%dma_start3A_40, %dma_start3A_41] : memref<100000x64xf32, #tpu.memory_space<hbm>> -> memref<100000x64xf32, #tpu.memory_space<hbm>>
    tpu.enqueue_indirect_dma source(%dma_start3A_42 : memref<100000x64xf32, #tpu.memory_space<hbm>>) target(%dma_start3A_34 : memref<128x64xf32, #tpu.memory_space<vmem>>) offsets(%dma_start3A_39 : memref<128xi32, #tpu.memory_space<vmem>>) semaphore(%arg9 : memref<!tpu.dma_semaphore, #tpu.memory_space<semaphore_mem>>) {add = true}
    %dma_start3A_43 = arith.constant 0 : i32
    %dma_start3A_44 = arith.constant 0 : i32
    %dma_start3A_45 = arith.constant 0 : i32
    %dma_start3A_46 = arith.constant 0 : i32
    %dma_start3A_47 = tpu.memref_slice %arg7[%dma_start3A_44, %dma_start3A_45, %dma_start3A_46] : memref<2x640x64xf32, #tpu.memory_space<vmem>> -> memref<1x640x64xf32, #tpu.memory_space<vmem>>
    %dma_start3A_48 = tpu.memref_squeeze %dma_start3A_47 : memref<1x640x64xf32, #tpu.memory_space<vmem>> -> memref<640x64xf32, #tpu.memory_space<vmem>>
    %dma_start3A_49 = arith.constant 256 : i32
    %dma_start3A_50 = arith.constant 0 : i32
    %dma_start3A_51 = tpu.memref_slice %dma_start3A_48[%dma_start3A_49, %dma_start3A_50] : memref<640x64xf32, #tpu.memory_space<vmem>> -> memref<128x64xf32, #tpu.memory_space<vmem>>
    %dma_start3A_52 = arith.constant 0 : i32
    %dma_start3A_53 = tpu.memref_slice %arg6[%dma_start3A_43, %dma_start3A_52] : memref<2x640xi32, #tpu.memory_space<vmem>> -> memref<1x640xi32, #tpu.memory_space<vmem>>
    %dma_start3A_54 = tpu.memref_squeeze %dma_start3A_53 : memref<1x640xi32, #tpu.memory_space<vmem>> -> memref<640xi32, #tpu.memory_space<vmem>>
    %dma_start3A_55 = arith.constant 256 : i32
    %dma_start3A_56 = tpu.memref_slice %dma_start3A_54[%dma_start3A_55] : memref<640xi32, #tpu.memory_space<vmem>> -> memref<128xi32, #tpu.memory_space<vmem>>
    %dma_start3A_57 = arith.constant 0 : i32
    %dma_start3A_58 = arith.constant 0 : i32
    %dma_start3A_59 = tpu.memref_slice %arg3[%dma_start3A_57, %dma_start3A_58] : memref<100000x64xf32, #tpu.memory_space<hbm>> -> memref<100000x64xf32, #tpu.memory_space<hbm>>
    tpu.enqueue_indirect_dma source(%dma_start3A_59 : memref<100000x64xf32, #tpu.memory_space<hbm>>) target(%dma_start3A_51 : memref<128x64xf32, #tpu.memory_space<vmem>>) offsets(%dma_start3A_56 : memref<128xi32, #tpu.memory_space<vmem>>) semaphore(%arg9 : memref<!tpu.dma_semaphore, #tpu.memory_space<semaphore_mem>>) {add = true}
    %dma_start3A_60 = arith.constant 0 : i32
    %dma_start3A_61 = arith.constant 0 : i32
    %dma_start3A_62 = arith.constant 0 : i32
    %dma_start3A_63 = arith.constant 0 : i32
    %dma_start3A_64 = tpu.memref_slice %arg7[%dma_start3A_61, %dma_start3A_62, %dma_start3A_63] : memref<2x640x64xf32, #tpu.memory_space<vmem>> -> memref<1x640x64xf32, #tpu.memory_space<vmem>>
    %dma_start3A_65 = tpu.memref_squeeze %dma_start3A_64 : memref<1x640x64xf32, #tpu.memory_space<vmem>> -> memref<640x64xf32, #tpu.memory_space<vmem>>
    %dma_start3A_66 = arith.constant 384 : i32
    %dma_start3A_67 = arith.constant 0 : i32
    %dma_start3A_68 = tpu.memref_slice %dma_start3A_65[%dma_start3A_66, %dma_start3A_67] : memref<640x64xf32, #tpu.memory_space<vmem>> -> memref<128x64xf32, #tpu.memory_space<vmem>>
    %dma_start3A_69 = arith.constant 0 : i32
    %dma_start3A_70 = tpu.memref_slice %arg6[%dma_start3A_60, %dma_start3A_69] : memref<2x640xi32, #tpu.memory_space<vmem>> -> memref<1x640xi32, #tpu.memory_space<vmem>>
    %dma_start3A_71 = tpu.memref_squeeze %dma_start3A_70 : memref<1x640xi32, #tpu.memory_space<vmem>> -> memref<640xi32, #tpu.memory_space<vmem>>
    %dma_start3A_72 = arith.constant 384 : i32
    %dma_start3A_73 = tpu.memref_slice %dma_start3A_71[%dma_start3A_72] : memref<640xi32, #tpu.memory_space<vmem>> -> memref<128xi32, #tpu.memory_space<vmem>>
    %dma_start3A_74 = arith.constant 0 : i32
    %dma_start3A_75 = arith.constant 0 : i32
    %dma_start3A_76 = tpu.memref_slice %arg3[%dma_start3A_74, %dma_start3A_75] : memref<100000x64xf32, #tpu.memory_space<hbm>> -> memref<100000x64xf32, #tpu.memory_space<hbm>>
    tpu.enqueue_indirect_dma source(%dma_start3A_76 : memref<100000x64xf32, #tpu.memory_space<hbm>>) target(%dma_start3A_68 : memref<128x64xf32, #tpu.memory_space<vmem>>) offsets(%dma_start3A_73 : memref<128xi32, #tpu.memory_space<vmem>>) semaphore(%arg9 : memref<!tpu.dma_semaphore, #tpu.memory_space<semaphore_mem>>) {add = true}
    %dma_start3A_77 = arith.constant 0 : i32
    %dma_start3A_78 = arith.constant 0 : i32
    %dma_start3A_79 = arith.constant 0 : i32
    %dma_start3A_80 = arith.constant 0 : i32
    %dma_start3A_81 = tpu.memref_slice %arg7[%dma_start3A_78, %dma_start3A_79, %dma_start3A_80] : memref<2x640x64xf32, #tpu.memory_space<vmem>> -> memref<1x640x64xf32, #tpu.memory_space<vmem>>
    %dma_start3A_82 = tpu.memref_squeeze %dma_start3A_81 : memref<1x640x64xf32, #tpu.memory_space<vmem>> -> memref<640x64xf32, #tpu.memory_space<vmem>>
    %dma_start3A_83 = arith.constant 512 : i32
    %dma_start3A_84 = arith.constant 0 : i32
    %dma_start3A_85 = tpu.memref_slice %dma_start3A_82[%dma_start3A_83, %dma_start3A_84] : memref<640x64xf32, #tpu.memory_space<vmem>> -> memref<128x64xf32, #tpu.memory_space<vmem>>
    %dma_start3A_86 = arith.constant 0 : i32
    %dma_start3A_87 = tpu.memref_slice %arg6[%dma_start3A_77, %dma_start3A_86] : memref<2x640xi32, #tpu.memory_space<vmem>> -> memref<1x640xi32, #tpu.memory_space<vmem>>
    %dma_start3A_88 = tpu.memref_squeeze %dma_start3A_87 : memref<1x640xi32, #tpu.memory_space<vmem>> -> memref<640xi32, #tpu.memory_space<vmem>>
    %dma_start3A_89 = arith.constant 512 : i32
    %dma_start3A_90 = tpu.memref_slice %dma_start3A_88[%dma_start3A_89] : memref<640xi32, #tpu.memory_space<vmem>> -> memref<128xi32, #tpu.memory_space<vmem>>
    %dma_start3A_91 = arith.constant 0 : i32
    %dma_start3A_92 = arith.constant 0 : i32
    %dma_start3A_93 = tpu.memref_slice %arg3[%dma_start3A_91, %dma_start3A_92] : memref<100000x64xf32, #tpu.memory_space<hbm>> -> memref<100000x64xf32, #tpu.memory_space<hbm>>
    tpu.enqueue_indirect_dma source(%dma_start3A_93 : memref<100000x64xf32, #tpu.memory_space<hbm>>) target(%dma_start3A_85 : memref<128x64xf32, #tpu.memory_space<vmem>>) offsets(%dma_start3A_90 : memref<128xi32, #tpu.memory_space<vmem>>) semaphore(%arg9 : memref<!tpu.dma_semaphore, #tpu.memory_space<semaphore_mem>>) {add = true}
    %rem3A_94 = arith.constant 640 : i32
    %rem3A_95 = arith.constant 200 : i32
    %rem3A_96 = arith.remsi %rem3A_94, %rem3A_95 : i32
    %add3A_97 = arith.constant 640 : i32
    %add3A_98 = arith.addi %mul3A_2, %add3A_97 : i32
    %run_scoped3A_99 = arith.constant 1 : i32
    "tpu.region"() ({
      %run_scoped3A_420 = tpu.sem_alloc : memref<!tpu.dma_semaphore, #tpu.memory_space<semaphore_mem>>
      %dma_start3A_421 = arith.constant 0 : i32
      %dma_start3A_422 = tpu.memref_slice %arg6[%run_scoped3A_99, %dma_start3A_421] : memref<2x640xi32, #tpu.memory_space<vmem>> -> memref<1x640xi32, #tpu.memory_space<vmem>>
      %dma_start3A_423 = tpu.memref_squeeze %dma_start3A_422 : memref<1x640xi32, #tpu.memory_space<vmem>> -> memref<640xi32, #tpu.memory_space<vmem>>
      %dma_start3A_424 = tpu.memref_slice %arg2[%add3A_98] : memref<819200xi32, #tpu.memory_space<hbm>> -> memref<640xi32, #tpu.memory_space<hbm>>
      %dma_start3A_425 = arith.constant 0 : i32
      %dma_start3A_426 = tpu.memref_slice %arg6[%run_scoped3A_99, %dma_start3A_425] : memref<2x640xi32, #tpu.memory_space<vmem>> -> memref<1x640xi32, #tpu.memory_space<vmem>>
      %dma_start3A_427 = tpu.memref_squeeze %dma_start3A_426 : memref<1x640xi32, #tpu.memory_space<vmem>> -> memref<640xi32, #tpu.memory_space<vmem>>
      %dma_start3A_428 = tpu.memref_slice %arg2[%add3A_98] : memref<819200xi32, #tpu.memory_space<hbm>> -> memref<640xi32, #tpu.memory_space<hbm>>
      tpu.enqueue_dma source(%dma_start3A_428 : memref<640xi32, #tpu.memory_space<hbm>>) target(%dma_start3A_427 : memref<640xi32, #tpu.memory_space<vmem>>) target_semaphore(%run_scoped3A_420 : memref<!tpu.dma_semaphore, #tpu.memory_space<semaphore_mem>>)
      %dma_wait3A_429 = arith.constant 0 : i32
      %dma_wait3A_430 = tpu.memref_slice %arg6[%run_scoped3A_99, %dma_wait3A_429] : memref<2x640xi32, #tpu.memory_space<vmem>> -> memref<1x640xi32, #tpu.memory_space<vmem>>
      %dma_wait3A_431 = tpu.memref_squeeze %dma_wait3A_430 : memref<1x640xi32, #tpu.memory_space<vmem>> -> memref<640xi32, #tpu.memory_space<vmem>>
      %dma_wait3A_432 = tpu.memref_slice %arg2[%add3A_98] : memref<819200xi32, #tpu.memory_space<hbm>> -> memref<640xi32, #tpu.memory_space<hbm>>
      %dma_wait3A_433 = arith.constant 0 : i32
      %dma_wait3A_434 = tpu.memref_slice %arg6[%run_scoped3A_99, %dma_wait3A_433] : memref<2x640xi32, #tpu.memory_space<vmem>> -> memref<1x640xi32, #tpu.memory_space<vmem>>
      %dma_wait3A_435 = tpu.memref_squeeze %dma_wait3A_434 : memref<1x640xi32, #tpu.memory_space<vmem>> -> memref<640xi32, #tpu.memory_space<vmem>>
      %dma_wait3A_436 = tpu.memref_slice %arg2[%add3A_98] : memref<819200xi32, #tpu.memory_space<hbm>> -> memref<640xi32, #tpu.memory_space<hbm>>
      tpu.wait_dma2 semaphore(%run_scoped3A_420 : memref<!tpu.dma_semaphore, #tpu.memory_space<semaphore_mem>>) src(%dma_wait3A_436 : memref<640xi32, #tpu.memory_space<hbm>>) dst(%dma_wait3A_435 : memref<640xi32, #tpu.memory_space<vmem>>)
      tpu.yield
    }) : () -> ()
    %run_scoped3A_100 = arith.constant 1 : i32
    "tpu.region"() ({
      %run_scoped3A_420 = tpu.sem_alloc : memref<!tpu.dma_semaphore, #tpu.memory_space<semaphore_mem>>
      %dma_start3A_421 = arith.constant 0 : i32
      %dma_start3A_422 = arith.constant 0 : i32
      %dma_start3A_423 = tpu.memref_slice %arg7[%run_scoped3A_100, %dma_start3A_421, %dma_start3A_422] : memref<2x640x64xf32, #tpu.memory_space<vmem>> -> memref<1x640x64xf32, #tpu.memory_space<vmem>>
      %dma_start3A_424 = tpu.memref_squeeze %dma_start3A_423 : memref<1x640x64xf32, #tpu.memory_space<vmem>> -> memref<640x64xf32, #tpu.memory_space<vmem>>
      %dma_start3A_425 = arith.constant 0 : i32
      %dma_start3A_426 = tpu.memref_slice %arg8[%rem3A_96, %dma_start3A_425] : memref<800x64xf32, #tpu.memory_space<vmem_shared>> -> memref<640x64xf32, #tpu.memory_space<vmem_shared>>
      %dma_start3A_427 = arith.constant 0 : i32
      %dma_start3A_428 = arith.constant 0 : i32
      %dma_start3A_429 = tpu.memref_slice %arg7[%run_scoped3A_100, %dma_start3A_427, %dma_start3A_428] : memref<2x640x64xf32, #tpu.memory_space<vmem>> -> memref<1x640x64xf32, #tpu.memory_space<vmem>>
      %dma_start3A_430 = tpu.memref_squeeze %dma_start3A_429 : memref<1x640x64xf32, #tpu.memory_space<vmem>> -> memref<640x64xf32, #tpu.memory_space<vmem>>
      %dma_start3A_431 = arith.constant 0 : i32
      %dma_start3A_432 = tpu.memref_slice %arg8[%rem3A_96, %dma_start3A_431] : memref<800x64xf32, #tpu.memory_space<vmem_shared>> -> memref<640x64xf32, #tpu.memory_space<vmem_shared>>
      tpu.enqueue_dma source(%dma_start3A_432 : memref<640x64xf32, #tpu.memory_space<vmem_shared>>) target(%dma_start3A_430 : memref<640x64xf32, #tpu.memory_space<vmem>>) target_semaphore(%run_scoped3A_420 : memref<!tpu.dma_semaphore, #tpu.memory_space<semaphore_mem>>)
      %dma_wait3A_433 = arith.constant 0 : i32
      %dma_wait3A_434 = arith.constant 0 : i32
      %dma_wait3A_435 = tpu.memref_slice %arg7[%run_scoped3A_100, %dma_wait3A_433, %dma_wait3A_434] : memref<2x640x64xf32, #tpu.memory_space<vmem>> -> memref<1x640x64xf32, #tpu.memory_space<vmem>>
      %dma_wait3A_436 = tpu.memref_squeeze %dma_wait3A_435 : memref<1x640x64xf32, #tpu.memory_space<vmem>> -> memref<640x64xf32, #tpu.memory_space<vmem>>
      %dma_wait3A_437 = arith.constant 0 : i32
      %dma_wait3A_438 = tpu.memref_slice %arg8[%rem3A_96, %dma_wait3A_437] : memref<800x64xf32, #tpu.memory_space<vmem_shared>> -> memref<640x64xf32, #tpu.memory_space<vmem_shared>>
      %dma_wait3A_439 = arith.constant 0 : i32
      %dma_wait3A_440 = arith.constant 0 : i32
      %dma_wait3A_441 = tpu.memref_slice %arg7[%run_scoped3A_100, %dma_wait3A_439, %dma_wait3A_440] : memref<2x640x64xf32, #tpu.memory_space<vmem>> -> memref<1x640x64xf32, #tpu.memory_space<vmem>>
      %dma_wait3A_442 = tpu.memref_squeeze %dma_wait3A_441 : memref<1x640x64xf32, #tpu.memory_space<vmem>> -> memref<640x64xf32, #tpu.memory_space<vmem>>
      %dma_wait3A_443 = arith.constant 0 : i32
      %dma_wait3A_444 = tpu.memref_slice %arg8[%rem3A_96, %dma_wait3A_443] : memref<800x64xf32, #tpu.memory_space<vmem_shared>> -> memref<640x64xf32, #tpu.memory_space<vmem_shared>>
      tpu.wait_dma2 semaphore(%run_scoped3A_420 : memref<!tpu.dma_semaphore, #tpu.memory_space<semaphore_mem>>) src(%dma_wait3A_444 : memref<640x64xf32, #tpu.memory_space<vmem_shared>>) dst(%dma_wait3A_442 : memref<640x64xf32, #tpu.memory_space<vmem>>)
      tpu.yield
    }) : () -> ()
    %dma_start3A_101 = arith.constant 1 : i32
    %dma_start3A_102 = arith.constant 1 : i32
    %dma_start3A_103 = arith.constant 0 : i32
    %dma_start3A_104 = arith.constant 0 : i32
    %dma_start3A_105 = tpu.memref_slice %arg7[%dma_start3A_102, %dma_start3A_103, %dma_start3A_104] : memref<2x640x64xf32, #tpu.memory_space<vmem>> -> memref<1x640x64xf32, #tpu.memory_space<vmem>>
    %dma_start3A_106 = tpu.memref_squeeze %dma_start3A_105 : memref<1x640x64xf32, #tpu.memory_space<vmem>> -> memref<640x64xf32, #tpu.memory_space<vmem>>
    %dma_start3A_107 = arith.constant 0 : i32
    %dma_start3A_108 = arith.constant 0 : i32
    %dma_start3A_109 = tpu.memref_slice %dma_start3A_106[%dma_start3A_107, %dma_start3A_108] : memref<640x64xf32, #tpu.memory_space<vmem>> -> memref<128x64xf32, #tpu.memory_space<vmem>>
    %dma_start3A_110 = arith.constant 0 : i32
    %dma_start3A_111 = tpu.memref_slice %arg6[%dma_start3A_101, %dma_start3A_110] : memref<2x640xi32, #tpu.memory_space<vmem>> -> memref<1x640xi32, #tpu.memory_space<vmem>>
    %dma_start3A_112 = tpu.memref_squeeze %dma_start3A_111 : memref<1x640xi32, #tpu.memory_space<vmem>> -> memref<640xi32, #tpu.memory_space<vmem>>
    %dma_start3A_113 = arith.constant 0 : i32
    %dma_start3A_114 = tpu.memref_slice %dma_start3A_112[%dma_start3A_113] : memref<640xi32, #tpu.memory_space<vmem>> -> memref<128xi32, #tpu.memory_space<vmem>>
    %dma_start3A_115 = arith.constant 0 : i32
    %dma_start3A_116 = arith.constant 0 : i32
    %dma_start3A_117 = tpu.memref_slice %arg3[%dma_start3A_115, %dma_start3A_116] : memref<100000x64xf32, #tpu.memory_space<hbm>> -> memref<100000x64xf32, #tpu.memory_space<hbm>>
    tpu.enqueue_indirect_dma source(%dma_start3A_117 : memref<100000x64xf32, #tpu.memory_space<hbm>>) target(%dma_start3A_109 : memref<128x64xf32, #tpu.memory_space<vmem>>) offsets(%dma_start3A_114 : memref<128xi32, #tpu.memory_space<vmem>>) semaphore(%arg10 : memref<!tpu.dma_semaphore, #tpu.memory_space<semaphore_mem>>) {add = true}
    %dma_start3A_118 = arith.constant 1 : i32
    %dma_start3A_119 = arith.constant 1 : i32
    %dma_start3A_120 = arith.constant 0 : i32
    %dma_start3A_121 = arith.constant 0 : i32
    %dma_start3A_122 = tpu.memref_slice %arg7[%dma_start3A_119, %dma_start3A_120, %dma_start3A_121] : memref<2x640x64xf32, #tpu.memory_space<vmem>> -> memref<1x640x64xf32, #tpu.memory_space<vmem>>
    %dma_start3A_123 = tpu.memref_squeeze %dma_start3A_122 : memref<1x640x64xf32, #tpu.memory_space<vmem>> -> memref<640x64xf32, #tpu.memory_space<vmem>>
    %dma_start3A_124 = arith.constant 128 : i32
    %dma_start3A_125 = arith.constant 0 : i32
    %dma_start3A_126 = tpu.memref_slice %dma_start3A_123[%dma_start3A_124, %dma_start3A_125] : memref<640x64xf32, #tpu.memory_space<vmem>> -> memref<128x64xf32, #tpu.memory_space<vmem>>
    %dma_start3A_127 = arith.constant 0 : i32
    %dma_start3A_128 = tpu.memref_slice %arg6[%dma_start3A_118, %dma_start3A_127] : memref<2x640xi32, #tpu.memory_space<vmem>> -> memref<1x640xi32, #tpu.memory_space<vmem>>
    %dma_start3A_129 = tpu.memref_squeeze %dma_start3A_128 : memref<1x640xi32, #tpu.memory_space<vmem>> -> memref<640xi32, #tpu.memory_space<vmem>>
    %dma_start3A_130 = arith.constant 128 : i32
    %dma_start3A_131 = tpu.memref_slice %dma_start3A_129[%dma_start3A_130] : memref<640xi32, #tpu.memory_space<vmem>> -> memref<128xi32, #tpu.memory_space<vmem>>
    %dma_start3A_132 = arith.constant 0 : i32
    %dma_start3A_133 = arith.constant 0 : i32
    %dma_start3A_134 = tpu.memref_slice %arg3[%dma_start3A_132, %dma_start3A_133] : memref<100000x64xf32, #tpu.memory_space<hbm>> -> memref<100000x64xf32, #tpu.memory_space<hbm>>
    tpu.enqueue_indirect_dma source(%dma_start3A_134 : memref<100000x64xf32, #tpu.memory_space<hbm>>) target(%dma_start3A_126 : memref<128x64xf32, #tpu.memory_space<vmem>>) offsets(%dma_start3A_131 : memref<128xi32, #tpu.memory_space<vmem>>) semaphore(%arg10 : memref<!tpu.dma_semaphore, #tpu.memory_space<semaphore_mem>>) {add = true}
    %dma_start3A_135 = arith.constant 1 : i32
    %dma_start3A_136 = arith.constant 1 : i32
    %dma_start3A_137 = arith.constant 0 : i32
    %dma_start3A_138 = arith.constant 0 : i32
    %dma_start3A_139 = tpu.memref_slice %arg7[%dma_start3A_136, %dma_start3A_137, %dma_start3A_138] : memref<2x640x64xf32, #tpu.memory_space<vmem>> -> memref<1x640x64xf32, #tpu.memory_space<vmem>>
    %dma_start3A_140 = tpu.memref_squeeze %dma_start3A_139 : memref<1x640x64xf32, #tpu.memory_space<vmem>> -> memref<640x64xf32, #tpu.memory_space<vmem>>
    %dma_start3A_141 = arith.constant 256 : i32
    %dma_start3A_142 = arith.constant 0 : i32
    %dma_start3A_143 = tpu.memref_slice %dma_start3A_140[%dma_start3A_141, %dma_start3A_142] : memref<640x64xf32, #tpu.memory_space<vmem>> -> memref<128x64xf32, #tpu.memory_space<vmem>>
    %dma_start3A_144 = arith.constant 0 : i32
    %dma_start3A_145 = tpu.memref_slice %arg6[%dma_start3A_135, %dma_start3A_144] : memref<2x640xi32, #tpu.memory_space<vmem>> -> memref<1x640xi32, #tpu.memory_space<vmem>>
    %dma_start3A_146 = tpu.memref_squeeze %dma_start3A_145 : memref<1x640xi32, #tpu.memory_space<vmem>> -> memref<640xi32, #tpu.memory_space<vmem>>
    %dma_start3A_147 = arith.constant 256 : i32
    %dma_start3A_148 = tpu.memref_slice %dma_start3A_146[%dma_start3A_147] : memref<640xi32, #tpu.memory_space<vmem>> -> memref<128xi32, #tpu.memory_space<vmem>>
    %dma_start3A_149 = arith.constant 0 : i32
    %dma_start3A_150 = arith.constant 0 : i32
    %dma_start3A_151 = tpu.memref_slice %arg3[%dma_start3A_149, %dma_start3A_150] : memref<100000x64xf32, #tpu.memory_space<hbm>> -> memref<100000x64xf32, #tpu.memory_space<hbm>>
    tpu.enqueue_indirect_dma source(%dma_start3A_151 : memref<100000x64xf32, #tpu.memory_space<hbm>>) target(%dma_start3A_143 : memref<128x64xf32, #tpu.memory_space<vmem>>) offsets(%dma_start3A_148 : memref<128xi32, #tpu.memory_space<vmem>>) semaphore(%arg10 : memref<!tpu.dma_semaphore, #tpu.memory_space<semaphore_mem>>) {add = true}
    %dma_start3A_152 = arith.constant 1 : i32
    %dma_start3A_153 = arith.constant 1 : i32
    %dma_start3A_154 = arith.constant 0 : i32
    %dma_start3A_155 = arith.constant 0 : i32
    %dma_start3A_156 = tpu.memref_slice %arg7[%dma_start3A_153, %dma_start3A_154, %dma_start3A_155] : memref<2x640x64xf32, #tpu.memory_space<vmem>> -> memref<1x640x64xf32, #tpu.memory_space<vmem>>
    %dma_start3A_157 = tpu.memref_squeeze %dma_start3A_156 : memref<1x640x64xf32, #tpu.memory_space<vmem>> -> memref<640x64xf32, #tpu.memory_space<vmem>>
    %dma_start3A_158 = arith.constant 384 : i32
    %dma_start3A_159 = arith.constant 0 : i32
    %dma_start3A_160 = tpu.memref_slice %dma_start3A_157[%dma_start3A_158, %dma_start3A_159] : memref<640x64xf32, #tpu.memory_space<vmem>> -> memref<128x64xf32, #tpu.memory_space<vmem>>
    %dma_start3A_161 = arith.constant 0 : i32
    %dma_start3A_162 = tpu.memref_slice %arg6[%dma_start3A_152, %dma_start3A_161] : memref<2x640xi32, #tpu.memory_space<vmem>> -> memref<1x640xi32, #tpu.memory_space<vmem>>
    %dma_start3A_163 = tpu.memref_squeeze %dma_start3A_162 : memref<1x640xi32, #tpu.memory_space<vmem>> -> memref<640xi32, #tpu.memory_space<vmem>>
    %dma_start3A_164 = arith.constant 384 : i32
    %dma_start3A_165 = tpu.memref_slice %dma_start3A_163[%dma_start3A_164] : memref<640xi32, #tpu.memory_space<vmem>> -> memref<128xi32, #tpu.memory_space<vmem>>
    %dma_start3A_166 = arith.constant 0 : i32
    %dma_start3A_167 = arith.constant 0 : i32
    %dma_start3A_168 = tpu.memref_slice %arg3[%dma_start3A_166, %dma_start3A_167] : memref<100000x64xf32, #tpu.memory_space<hbm>> -> memref<100000x64xf32, #tpu.memory_space<hbm>>
    tpu.enqueue_indirect_dma source(%dma_start3A_168 : memref<100000x64xf32, #tpu.memory_space<hbm>>) target(%dma_start3A_160 : memref<128x64xf32, #tpu.memory_space<vmem>>) offsets(%dma_start3A_165 : memref<128xi32, #tpu.memory_space<vmem>>) semaphore(%arg10 : memref<!tpu.dma_semaphore, #tpu.memory_space<semaphore_mem>>) {add = true}
    %dma_start3A_169 = arith.constant 1 : i32
    %dma_start3A_170 = arith.constant 1 : i32
    %dma_start3A_171 = arith.constant 0 : i32
    %dma_start3A_172 = arith.constant 0 : i32
    %dma_start3A_173 = tpu.memref_slice %arg7[%dma_start3A_170, %dma_start3A_171, %dma_start3A_172] : memref<2x640x64xf32, #tpu.memory_space<vmem>> -> memref<1x640x64xf32, #tpu.memory_space<vmem>>
    %dma_start3A_174 = tpu.memref_squeeze %dma_start3A_173 : memref<1x640x64xf32, #tpu.memory_space<vmem>> -> memref<640x64xf32, #tpu.memory_space<vmem>>
    %dma_start3A_175 = arith.constant 512 : i32
    %dma_start3A_176 = arith.constant 0 : i32
    %dma_start3A_177 = tpu.memref_slice %dma_start3A_174[%dma_start3A_175, %dma_start3A_176] : memref<640x64xf32, #tpu.memory_space<vmem>> -> memref<128x64xf32, #tpu.memory_space<vmem>>
    %dma_start3A_178 = arith.constant 0 : i32
    %dma_start3A_179 = tpu.memref_slice %arg6[%dma_start3A_169, %dma_start3A_178] : memref<2x640xi32, #tpu.memory_space<vmem>> -> memref<1x640xi32, #tpu.memory_space<vmem>>
    %dma_start3A_180 = tpu.memref_squeeze %dma_start3A_179 : memref<1x640xi32, #tpu.memory_space<vmem>> -> memref<640xi32, #tpu.memory_space<vmem>>
    %dma_start3A_181 = arith.constant 512 : i32
    %dma_start3A_182 = tpu.memref_slice %dma_start3A_180[%dma_start3A_181] : memref<640xi32, #tpu.memory_space<vmem>> -> memref<128xi32, #tpu.memory_space<vmem>>
    %dma_start3A_183 = arith.constant 0 : i32
    %dma_start3A_184 = arith.constant 0 : i32
    %dma_start3A_185 = tpu.memref_slice %arg3[%dma_start3A_183, %dma_start3A_184] : memref<100000x64xf32, #tpu.memory_space<hbm>> -> memref<100000x64xf32, #tpu.memory_space<hbm>>
    tpu.enqueue_indirect_dma source(%dma_start3A_185 : memref<100000x64xf32, #tpu.memory_space<hbm>>) target(%dma_start3A_177 : memref<128x64xf32, #tpu.memory_space<vmem>>) offsets(%dma_start3A_182 : memref<128xi32, #tpu.memory_space<vmem>>) semaphore(%arg10 : memref<!tpu.dma_semaphore, #tpu.memory_space<semaphore_mem>>) {add = true}
    %dma_wait3A = arith.constant 0 : i32
    %dma_wait3A_186 = arith.constant 0 : i32
    %dma_wait3A_187 = arith.constant 0 : i32
    %dma_wait3A_188 = arith.constant 0 : i32
    %dma_wait3A_189 = tpu.memref_slice %arg7[%dma_wait3A_186, %dma_wait3A_187, %dma_wait3A_188] : memref<2x640x64xf32, #tpu.memory_space<vmem>> -> memref<1x640x64xf32, #tpu.memory_space<vmem>>
    %dma_wait3A_190 = tpu.memref_squeeze %dma_wait3A_189 : memref<1x640x64xf32, #tpu.memory_space<vmem>> -> memref<640x64xf32, #tpu.memory_space<vmem>>
    %dma_wait3A_191 = arith.constant 0 : i32
    %dma_wait3A_192 = arith.constant 0 : i32
    %dma_wait3A_193 = tpu.memref_slice %dma_wait3A_190[%dma_wait3A_191, %dma_wait3A_192] : memref<640x64xf32, #tpu.memory_space<vmem>> -> memref<128x64xf32, #tpu.memory_space<vmem>>
    %dma_wait3A_194 = arith.constant 0 : i32
    %dma_wait3A_195 = tpu.memref_slice %arg6[%dma_wait3A, %dma_wait3A_194] : memref<2x640xi32, #tpu.memory_space<vmem>> -> memref<1x640xi32, #tpu.memory_space<vmem>>
    %dma_wait3A_196 = tpu.memref_squeeze %dma_wait3A_195 : memref<1x640xi32, #tpu.memory_space<vmem>> -> memref<640xi32, #tpu.memory_space<vmem>>
    %dma_wait3A_197 = arith.constant 0 : i32
    %dma_wait3A_198 = tpu.memref_slice %dma_wait3A_196[%dma_wait3A_197] : memref<640xi32, #tpu.memory_space<vmem>> -> memref<128xi32, #tpu.memory_space<vmem>>
    %dma_wait3A_199 = arith.constant 0 : i32
    %dma_wait3A_200 = arith.constant 0 : i32
    %dma_wait3A_201 = tpu.memref_slice %arg3[%dma_wait3A_199, %dma_wait3A_200] : memref<100000x64xf32, #tpu.memory_space<hbm>> -> memref<100000x64xf32, #tpu.memory_space<hbm>>
    tpu.wait_indirect_dma semaphore(%arg9 : memref<!tpu.dma_semaphore, #tpu.memory_space<semaphore_mem>>) src(%dma_wait3A_201 : memref<100000x64xf32, #tpu.memory_space<hbm>>) dst(%dma_wait3A_193 : memref<128x64xf32, #tpu.memory_space<vmem>>)
    %dma_wait3A_202 = arith.constant 0 : i32
    %dma_wait3A_203 = arith.constant 0 : i32
    %dma_wait3A_204 = arith.constant 0 : i32
    %dma_wait3A_205 = arith.constant 0 : i32
    %dma_wait3A_206 = tpu.memref_slice %arg7[%dma_wait3A_203, %dma_wait3A_204, %dma_wait3A_205] : memref<2x640x64xf32, #tpu.memory_space<vmem>> -> memref<1x640x64xf32, #tpu.memory_space<vmem>>
    %dma_wait3A_207 = tpu.memref_squeeze %dma_wait3A_206 : memref<1x640x64xf32, #tpu.memory_space<vmem>> -> memref<640x64xf32, #tpu.memory_space<vmem>>
    %dma_wait3A_208 = arith.constant 128 : i32
    %dma_wait3A_209 = arith.constant 0 : i32
    %dma_wait3A_210 = tpu.memref_slice %dma_wait3A_207[%dma_wait3A_208, %dma_wait3A_209] : memref<640x64xf32, #tpu.memory_space<vmem>> -> memref<128x64xf32, #tpu.memory_space<vmem>>
    %dma_wait3A_211 = arith.constant 0 : i32
    %dma_wait3A_212 = tpu.memref_slice %arg6[%dma_wait3A_202, %dma_wait3A_211] : memref<2x640xi32, #tpu.memory_space<vmem>> -> memref<1x640xi32, #tpu.memory_space<vmem>>
    %dma_wait3A_213 = tpu.memref_squeeze %dma_wait3A_212 : memref<1x640xi32, #tpu.memory_space<vmem>> -> memref<640xi32, #tpu.memory_space<vmem>>
    %dma_wait3A_214 = arith.constant 128 : i32
    %dma_wait3A_215 = tpu.memref_slice %dma_wait3A_213[%dma_wait3A_214] : memref<640xi32, #tpu.memory_space<vmem>> -> memref<128xi32, #tpu.memory_space<vmem>>
    %dma_wait3A_216 = arith.constant 0 : i32
    %dma_wait3A_217 = arith.constant 0 : i32
    %dma_wait3A_218 = tpu.memref_slice %arg3[%dma_wait3A_216, %dma_wait3A_217] : memref<100000x64xf32, #tpu.memory_space<hbm>> -> memref<100000x64xf32, #tpu.memory_space<hbm>>
    tpu.wait_indirect_dma semaphore(%arg9 : memref<!tpu.dma_semaphore, #tpu.memory_space<semaphore_mem>>) src(%dma_wait3A_218 : memref<100000x64xf32, #tpu.memory_space<hbm>>) dst(%dma_wait3A_210 : memref<128x64xf32, #tpu.memory_space<vmem>>)
    %dma_wait3A_219 = arith.constant 0 : i32
    %dma_wait3A_220 = arith.constant 0 : i32
    %dma_wait3A_221 = arith.constant 0 : i32
    %dma_wait3A_222 = arith.constant 0 : i32
    %dma_wait3A_223 = tpu.memref_slice %arg7[%dma_wait3A_220, %dma_wait3A_221, %dma_wait3A_222] : memref<2x640x64xf32, #tpu.memory_space<vmem>> -> memref<1x640x64xf32, #tpu.memory_space<vmem>>
    %dma_wait3A_224 = tpu.memref_squeeze %dma_wait3A_223 : memref<1x640x64xf32, #tpu.memory_space<vmem>> -> memref<640x64xf32, #tpu.memory_space<vmem>>
    %dma_wait3A_225 = arith.constant 256 : i32
    %dma_wait3A_226 = arith.constant 0 : i32
    %dma_wait3A_227 = tpu.memref_slice %dma_wait3A_224[%dma_wait3A_225, %dma_wait3A_226] : memref<640x64xf32, #tpu.memory_space<vmem>> -> memref<128x64xf32, #tpu.memory_space<vmem>>
    %dma_wait3A_228 = arith.constant 0 : i32
    %dma_wait3A_229 = tpu.memref_slice %arg6[%dma_wait3A_219, %dma_wait3A_228] : memref<2x640xi32, #tpu.memory_space<vmem>> -> memref<1x640xi32, #tpu.memory_space<vmem>>
    %dma_wait3A_230 = tpu.memref_squeeze %dma_wait3A_229 : memref<1x640xi32, #tpu.memory_space<vmem>> -> memref<640xi32, #tpu.memory_space<vmem>>
    %dma_wait3A_231 = arith.constant 256 : i32
    %dma_wait3A_232 = tpu.memref_slice %dma_wait3A_230[%dma_wait3A_231] : memref<640xi32, #tpu.memory_space<vmem>> -> memref<128xi32, #tpu.memory_space<vmem>>
    %dma_wait3A_233 = arith.constant 0 : i32
    %dma_wait3A_234 = arith.constant 0 : i32
    %dma_wait3A_235 = tpu.memref_slice %arg3[%dma_wait3A_233, %dma_wait3A_234] : memref<100000x64xf32, #tpu.memory_space<hbm>> -> memref<100000x64xf32, #tpu.memory_space<hbm>>
    tpu.wait_indirect_dma semaphore(%arg9 : memref<!tpu.dma_semaphore, #tpu.memory_space<semaphore_mem>>) src(%dma_wait3A_235 : memref<100000x64xf32, #tpu.memory_space<hbm>>) dst(%dma_wait3A_227 : memref<128x64xf32, #tpu.memory_space<vmem>>)
    %dma_wait3A_236 = arith.constant 0 : i32
    %dma_wait3A_237 = arith.constant 0 : i32
    %dma_wait3A_238 = arith.constant 0 : i32
    %dma_wait3A_239 = arith.constant 0 : i32
    %dma_wait3A_240 = tpu.memref_slice %arg7[%dma_wait3A_237, %dma_wait3A_238, %dma_wait3A_239] : memref<2x640x64xf32, #tpu.memory_space<vmem>> -> memref<1x640x64xf32, #tpu.memory_space<vmem>>
    %dma_wait3A_241 = tpu.memref_squeeze %dma_wait3A_240 : memref<1x640x64xf32, #tpu.memory_space<vmem>> -> memref<640x64xf32, #tpu.memory_space<vmem>>
    %dma_wait3A_242 = arith.constant 384 : i32
    %dma_wait3A_243 = arith.constant 0 : i32
    %dma_wait3A_244 = tpu.memref_slice %dma_wait3A_241[%dma_wait3A_242, %dma_wait3A_243] : memref<640x64xf32, #tpu.memory_space<vmem>> -> memref<128x64xf32, #tpu.memory_space<vmem>>
    %dma_wait3A_245 = arith.constant 0 : i32
    %dma_wait3A_246 = tpu.memref_slice %arg6[%dma_wait3A_236, %dma_wait3A_245] : memref<2x640xi32, #tpu.memory_space<vmem>> -> memref<1x640xi32, #tpu.memory_space<vmem>>
    %dma_wait3A_247 = tpu.memref_squeeze %dma_wait3A_246 : memref<1x640xi32, #tpu.memory_space<vmem>> -> memref<640xi32, #tpu.memory_space<vmem>>
    %dma_wait3A_248 = arith.constant 384 : i32
    %dma_wait3A_249 = tpu.memref_slice %dma_wait3A_247[%dma_wait3A_248] : memref<640xi32, #tpu.memory_space<vmem>> -> memref<128xi32, #tpu.memory_space<vmem>>
    %dma_wait3A_250 = arith.constant 0 : i32
    %dma_wait3A_251 = arith.constant 0 : i32
    %dma_wait3A_252 = tpu.memref_slice %arg3[%dma_wait3A_250, %dma_wait3A_251] : memref<100000x64xf32, #tpu.memory_space<hbm>> -> memref<100000x64xf32, #tpu.memory_space<hbm>>
    tpu.wait_indirect_dma semaphore(%arg9 : memref<!tpu.dma_semaphore, #tpu.memory_space<semaphore_mem>>) src(%dma_wait3A_252 : memref<100000x64xf32, #tpu.memory_space<hbm>>) dst(%dma_wait3A_244 : memref<128x64xf32, #tpu.memory_space<vmem>>)
    %dma_wait3A_253 = arith.constant 0 : i32
    %dma_wait3A_254 = arith.constant 0 : i32
    %dma_wait3A_255 = arith.constant 0 : i32
    %dma_wait3A_256 = arith.constant 0 : i32
    %dma_wait3A_257 = tpu.memref_slice %arg7[%dma_wait3A_254, %dma_wait3A_255, %dma_wait3A_256] : memref<2x640x64xf32, #tpu.memory_space<vmem>> -> memref<1x640x64xf32, #tpu.memory_space<vmem>>
    %dma_wait3A_258 = tpu.memref_squeeze %dma_wait3A_257 : memref<1x640x64xf32, #tpu.memory_space<vmem>> -> memref<640x64xf32, #tpu.memory_space<vmem>>
    %dma_wait3A_259 = arith.constant 512 : i32
    %dma_wait3A_260 = arith.constant 0 : i32
    %dma_wait3A_261 = tpu.memref_slice %dma_wait3A_258[%dma_wait3A_259, %dma_wait3A_260] : memref<640x64xf32, #tpu.memory_space<vmem>> -> memref<128x64xf32, #tpu.memory_space<vmem>>
    %dma_wait3A_262 = arith.constant 0 : i32
    %dma_wait3A_263 = tpu.memref_slice %arg6[%dma_wait3A_253, %dma_wait3A_262] : memref<2x640xi32, #tpu.memory_space<vmem>> -> memref<1x640xi32, #tpu.memory_space<vmem>>
    %dma_wait3A_264 = tpu.memref_squeeze %dma_wait3A_263 : memref<1x640xi32, #tpu.memory_space<vmem>> -> memref<640xi32, #tpu.memory_space<vmem>>
    %dma_wait3A_265 = arith.constant 512 : i32
    %dma_wait3A_266 = tpu.memref_slice %dma_wait3A_264[%dma_wait3A_265] : memref<640xi32, #tpu.memory_space<vmem>> -> memref<128xi32, #tpu.memory_space<vmem>>
    %dma_wait3A_267 = arith.constant 0 : i32
    %dma_wait3A_268 = arith.constant 0 : i32
    %dma_wait3A_269 = tpu.memref_slice %arg3[%dma_wait3A_267, %dma_wait3A_268] : memref<100000x64xf32, #tpu.memory_space<hbm>> -> memref<100000x64xf32, #tpu.memory_space<hbm>>
    tpu.wait_indirect_dma semaphore(%arg9 : memref<!tpu.dma_semaphore, #tpu.memory_space<semaphore_mem>>) src(%dma_wait3A_269 : memref<100000x64xf32, #tpu.memory_space<hbm>>) dst(%dma_wait3A_261 : memref<128x64xf32, #tpu.memory_space<vmem>>)
    %add3A_270 = arith.constant 0 : i32
    %add3A_271 = arith.addi %mul3A_2, %add3A_270 : i32
    %dma_start3A_272 = arith.constant 0 : i32
    %dma_start3A_273 = arith.constant 0 : i32
    %dma_start3A_274 = arith.constant 0 : i32
    %dma_start3A_275 = tpu.memref_slice %arg7[%dma_start3A_272, %dma_start3A_273, %dma_start3A_274] : memref<2x640x64xf32, #tpu.memory_space<vmem>> -> memref<1x640x64xf32, #tpu.memory_space<vmem>>
    %dma_start3A_276 = tpu.memref_squeeze %dma_start3A_275 : memref<1x640x64xf32, #tpu.memory_space<vmem>> -> memref<640x64xf32, #tpu.memory_space<vmem>>
    %dma_start3A_277 = arith.constant 0 : i32
    %dma_start3A_278 = tpu.memref_slice %arg5[%add3A_271, %dma_start3A_277] : memref<819200x64xf32, #tpu.memory_space<hbm>> -> memref<640x64xf32, #tpu.memory_space<hbm>>
    %dma_start3A_279 = arith.constant 0 : i32
    %dma_start3A_280 = tpu.memref_slice %arg5[%add3A_271, %dma_start3A_279] : memref<819200x64xf32, #tpu.memory_space<hbm>> -> memref<640x64xf32, #tpu.memory_space<hbm>>
    %dma_start3A_281 = arith.constant 0 : i32
    %dma_start3A_282 = arith.constant 0 : i32
    %dma_start3A_283 = tpu.memref_slice %arg7[%dma_start3A_272, %dma_start3A_281, %dma_start3A_282] : memref<2x640x64xf32, #tpu.memory_space<vmem>> -> memref<1x640x64xf32, #tpu.memory_space<vmem>>
    %dma_start3A_284 = tpu.memref_squeeze %dma_start3A_283 : memref<1x640x64xf32, #tpu.memory_space<vmem>> -> memref<640x64xf32, #tpu.memory_space<vmem>>
    tpu.enqueue_dma source(%dma_start3A_284 : memref<640x64xf32, #tpu.memory_space<vmem>>) target(%dma_start3A_280 : memref<640x64xf32, #tpu.memory_space<hbm>>) target_semaphore(%arg11 : memref<!tpu.dma_semaphore, #tpu.memory_space<semaphore_mem>>)
    %scan3A = arith.constant 0 : i32
    %scan3A_285 = arith.constant 0 : i32
    %scan3A_286 = arith.constant 19 : i32
    %scan3A_287 = arith.addi %scan3A_285, %scan3A_286 : i32
    %scan3A_288 = arith.constant 1 : i32
    scf.for %scan3A_420 = %scan3A_285 to %scan3A_287 step %scan3A_288  : i32 {
      %mul3A_421 = arith.constant 2 : i32
      %mul3A_422 = arith.muli %mul3A_421, %scan3A_420 : i32
      %add3A_423 = arith.constant 1 : i32
      %add3A_424 = arith.addi %mul3A_422, %add3A_423 : i32
      %sub3A = arith.constant 1 : i32
      %sub3A_425 = arith.subi %add3A_424, %sub3A : i32
      %mul3A_426 = arith.constant 640 : i32
      %mul3A_427 = arith.muli %sub3A_425, %mul3A_426 : i32
      %add3A_428 = arith.addi %mul3A_2, %mul3A_427 : i32
      %dma_wait3A_429 = arith.constant 0 : i32
      %dma_wait3A_430 = arith.constant 0 : i32
      %dma_wait3A_431 = arith.constant 0 : i32
      %dma_wait3A_432 = tpu.memref_slice %arg7[%dma_wait3A_429, %dma_wait3A_430, %dma_wait3A_431] : memref<2x640x64xf32, #tpu.memory_space<vmem>> -> memref<1x640x64xf32, #tpu.memory_space<vmem>>
      %dma_wait3A_433 = tpu.memref_squeeze %dma_wait3A_432 : memref<1x640x64xf32, #tpu.memory_space<vmem>> -> memref<640x64xf32, #tpu.memory_space<vmem>>
      %dma_wait3A_434 = arith.constant 0 : i32
      %dma_wait3A_435 = tpu.memref_slice %arg5[%add3A_428, %dma_wait3A_434] : memref<819200x64xf32, #tpu.memory_space<hbm>> -> memref<640x64xf32, #tpu.memory_space<hbm>>
      %dma_wait3A_436 = arith.constant 0 : i32
      %dma_wait3A_437 = tpu.memref_slice %arg5[%add3A_428, %dma_wait3A_436] : memref<819200x64xf32, #tpu.memory_space<hbm>> -> memref<640x64xf32, #tpu.memory_space<hbm>>
      %dma_wait3A_438 = arith.constant 0 : i32
      %dma_wait3A_439 = arith.constant 0 : i32
      %dma_wait3A_440 = tpu.memref_slice %arg7[%dma_wait3A_429, %dma_wait3A_438, %dma_wait3A_439] : memref<2x640x64xf32, #tpu.memory_space<vmem>> -> memref<1x640x64xf32, #tpu.memory_space<vmem>>
      %dma_wait3A_441 = tpu.memref_squeeze %dma_wait3A_440 : memref<1x640x64xf32, #tpu.memory_space<vmem>> -> memref<640x64xf32, #tpu.memory_space<vmem>>
      tpu.wait_dma2 semaphore(%arg11 : memref<!tpu.dma_semaphore, #tpu.memory_space<semaphore_mem>>) src(%dma_wait3A_441 : memref<640x64xf32, #tpu.memory_space<vmem>>) dst(%dma_wait3A_437 : memref<640x64xf32, #tpu.memory_space<hbm>>)
      %add3A_442 = arith.constant 1 : i32
      %add3A_443 = arith.addi %add3A_424, %add3A_442 : i32
      %mul3A_444 = arith.constant 640 : i32
      %mul3A_445 = arith.muli %add3A_443, %mul3A_444 : i32
      %rem3A_446 = arith.constant 200 : i32
      %rem3A_447 = arith.remsi %mul3A_445, %rem3A_446 : i32
      %mul3A_448 = arith.constant 640 : i32
      %mul3A_449 = arith.muli %add3A_443, %mul3A_448 : i32
      %add3A_450 = arith.addi %mul3A_2, %mul3A_449 : i32
      %run_scoped3A_451 = arith.constant 0 : i32
      "tpu.region"() ({
        %run_scoped3A_858 = tpu.sem_alloc : memref<!tpu.dma_semaphore, #tpu.memory_space<semaphore_mem>>
        %dma_start3A_859 = arith.constant 0 : i32
        %dma_start3A_860 = tpu.memref_slice %arg6[%run_scoped3A_451, %dma_start3A_859] : memref<2x640xi32, #tpu.memory_space<vmem>> -> memref<1x640xi32, #tpu.memory_space<vmem>>
        %dma_start3A_861 = tpu.memref_squeeze %dma_start3A_860 : memref<1x640xi32, #tpu.memory_space<vmem>> -> memref<640xi32, #tpu.memory_space<vmem>>
        %dma_start3A_862 = tpu.memref_slice %arg2[%add3A_450] : memref<819200xi32, #tpu.memory_space<hbm>> -> memref<640xi32, #tpu.memory_space<hbm>>
        %dma_start3A_863 = arith.constant 0 : i32
        %dma_start3A_864 = tpu.memref_slice %arg6[%run_scoped3A_451, %dma_start3A_863] : memref<2x640xi32, #tpu.memory_space<vmem>> -> memref<1x640xi32, #tpu.memory_space<vmem>>
        %dma_start3A_865 = tpu.memref_squeeze %dma_start3A_864 : memref<1x640xi32, #tpu.memory_space<vmem>> -> memref<640xi32, #tpu.memory_space<vmem>>
        %dma_start3A_866 = tpu.memref_slice %arg2[%add3A_450] : memref<819200xi32, #tpu.memory_space<hbm>> -> memref<640xi32, #tpu.memory_space<hbm>>
        tpu.enqueue_dma source(%dma_start3A_866 : memref<640xi32, #tpu.memory_space<hbm>>) target(%dma_start3A_865 : memref<640xi32, #tpu.memory_space<vmem>>) target_semaphore(%run_scoped3A_858 : memref<!tpu.dma_semaphore, #tpu.memory_space<semaphore_mem>>)
        %dma_wait3A_867 = arith.constant 0 : i32
        %dma_wait3A_868 = tpu.memref_slice %arg6[%run_scoped3A_451, %dma_wait3A_867] : memref<2x640xi32, #tpu.memory_space<vmem>> -> memref<1x640xi32, #tpu.memory_space<vmem>>
        %dma_wait3A_869 = tpu.memref_squeeze %dma_wait3A_868 : memref<1x640xi32, #tpu.memory_space<vmem>> -> memref<640xi32, #tpu.memory_space<vmem>>
        %dma_wait3A_870 = tpu.memref_slice %arg2[%add3A_450] : memref<819200xi32, #tpu.memory_space<hbm>> -> memref<640xi32, #tpu.memory_space<hbm>>
        %dma_wait3A_871 = arith.constant 0 : i32
        %dma_wait3A_872 = tpu.memref_slice %arg6[%run_scoped3A_451, %dma_wait3A_871] : memref<2x640xi32, #tpu.memory_space<vmem>> -> memref<1x640xi32, #tpu.memory_space<vmem>>
        %dma_wait3A_873 = tpu.memref_squeeze %dma_wait3A_872 : memref<1x640xi32, #tpu.memory_space<vmem>> -> memref<640xi32, #tpu.memory_space<vmem>>
        %dma_wait3A_874 = tpu.memref_slice %arg2[%add3A_450] : memref<819200xi32, #tpu.memory_space<hbm>> -> memref<640xi32, #tpu.memory_space<hbm>>
        tpu.wait_dma2 semaphore(%run_scoped3A_858 : memref<!tpu.dma_semaphore, #tpu.memory_space<semaphore_mem>>) src(%dma_wait3A_874 : memref<640xi32, #tpu.memory_space<hbm>>) dst(%dma_wait3A_873 : memref<640xi32, #tpu.memory_space<vmem>>)
        tpu.yield
      }) : () -> ()
      %run_scoped3A_452 = arith.constant 0 : i32
      "tpu.region"() ({
        %run_scoped3A_858 = tpu.sem_alloc : memref<!tpu.dma_semaphore, #tpu.memory_space<semaphore_mem>>
        %dma_start3A_859 = arith.constant 0 : i32
        %dma_start3A_860 = arith.constant 0 : i32
        %dma_start3A_861 = tpu.memref_slice %arg7[%run_scoped3A_452, %dma_start3A_859, %dma_start3A_860] : memref<2x640x64xf32, #tpu.memory_space<vmem>> -> memref<1x640x64xf32, #tpu.memory_space<vmem>>
        %dma_start3A_862 = tpu.memref_squeeze %dma_start3A_861 : memref<1x640x64xf32, #tpu.memory_space<vmem>> -> memref<640x64xf32, #tpu.memory_space<vmem>>
        %dma_start3A_863 = arith.constant 0 : i32
        %dma_start3A_864 = tpu.memref_slice %arg8[%rem3A_447, %dma_start3A_863] : memref<800x64xf32, #tpu.memory_space<vmem_shared>> -> memref<640x64xf32, #tpu.memory_space<vmem_shared>>
        %dma_start3A_865 = arith.constant 0 : i32
        %dma_start3A_866 = arith.constant 0 : i32
        %dma_start3A_867 = tpu.memref_slice %arg7[%run_scoped3A_452, %dma_start3A_865, %dma_start3A_866] : memref<2x640x64xf32, #tpu.memory_space<vmem>> -> memref<1x640x64xf32, #tpu.memory_space<vmem>>
        %dma_start3A_868 = tpu.memref_squeeze %dma_start3A_867 : memref<1x640x64xf32, #tpu.memory_space<vmem>> -> memref<640x64xf32, #tpu.memory_space<vmem>>
        %dma_start3A_869 = arith.constant 0 : i32
        %dma_start3A_870 = tpu.memref_slice %arg8[%rem3A_447, %dma_start3A_869] : memref<800x64xf32, #tpu.memory_space<vmem_shared>> -> memref<640x64xf32, #tpu.memory_space<vmem_shared>>
        tpu.enqueue_dma source(%dma_start3A_870 : memref<640x64xf32, #tpu.memory_space<vmem_shared>>) target(%dma_start3A_868 : memref<640x64xf32, #tpu.memory_space<vmem>>) target_semaphore(%run_scoped3A_858 : memref<!tpu.dma_semaphore, #tpu.memory_space<semaphore_mem>>)
        %dma_wait3A_871 = arith.constant 0 : i32
        %dma_wait3A_872 = arith.constant 0 : i32
        %dma_wait3A_873 = tpu.memref_slice %arg7[%run_scoped3A_452, %dma_wait3A_871, %dma_wait3A_872] : memref<2x640x64xf32, #tpu.memory_space<vmem>> -> memref<1x640x64xf32, #tpu.memory_space<vmem>>
        %dma_wait3A_874 = tpu.memref_squeeze %dma_wait3A_873 : memref<1x640x64xf32, #tpu.memory_space<vmem>> -> memref<640x64xf32, #tpu.memory_space<vmem>>
        %dma_wait3A_875 = arith.constant 0 : i32
        %dma_wait3A_876 = tpu.memref_slice %arg8[%rem3A_447, %dma_wait3A_875] : memref<800x64xf32, #tpu.memory_space<vmem_shared>> -> memref<640x64xf32, #tpu.memory_space<vmem_shared>>
        %dma_wait3A_877 = arith.constant 0 : i32
        %dma_wait3A_878 = arith.constant 0 : i32
        %dma_wait3A_879 = tpu.memref_slice %arg7[%run_scoped3A_452, %dma_wait3A_877, %dma_wait3A_878] : memref<2x640x64xf32, #tpu.memory_space<vmem>> -> memref<1x640x64xf32, #tpu.memory_space<vmem>>
        %dma_wait3A_880 = tpu.memref_squeeze %dma_wait3A_879 : memref<1x640x64xf32, #tpu.memory_space<vmem>> -> memref<640x64xf32, #tpu.memory_space<vmem>>
        %dma_wait3A_881 = arith.constant 0 : i32
        %dma_wait3A_882 = tpu.memref_slice %arg8[%rem3A_447, %dma_wait3A_881] : memref<800x64xf32, #tpu.memory_space<vmem_shared>> -> memref<640x64xf32, #tpu.memory_space<vmem_shared>>
        tpu.wait_dma2 semaphore(%run_scoped3A_858 : memref<!tpu.dma_semaphore, #tpu.memory_space<semaphore_mem>>) src(%dma_wait3A_882 : memref<640x64xf32, #tpu.memory_space<vmem_shared>>) dst(%dma_wait3A_880 : memref<640x64xf32, #tpu.memory_space<vmem>>)
        tpu.yield
      }) : () -> ()
      %dma_start3A_453 = arith.constant 0 : i32
      %dma_start3A_454 = arith.constant 0 : i32
      %dma_start3A_455 = arith.constant 0 : i32
      %dma_start3A_456 = arith.constant 0 : i32
      %dma_start3A_457 = tpu.memref_slice %arg7[%dma_start3A_454, %dma_start3A_455, %dma_start3A_456] : memref<2x640x64xf32, #tpu.memory_space<vmem>> -> memref<1x640x64xf32, #tpu.memory_space<vmem>>
      %dma_start3A_458 = tpu.memref_squeeze %dma_start3A_457 : memref<1x640x64xf32, #tpu.memory_space<vmem>> -> memref<640x64xf32, #tpu.memory_space<vmem>>
      %dma_start3A_459 = arith.constant 0 : i32
      %dma_start3A_460 = arith.constant 0 : i32
      %dma_start3A_461 = tpu.memref_slice %dma_start3A_458[%dma_start3A_459, %dma_start3A_460] : memref<640x64xf32, #tpu.memory_space<vmem>> -> memref<128x64xf32, #tpu.memory_space<vmem>>
      %dma_start3A_462 = arith.constant 0 : i32
      %dma_start3A_463 = tpu.memref_slice %arg6[%dma_start3A_453, %dma_start3A_462] : memref<2x640xi32, #tpu.memory_space<vmem>> -> memref<1x640xi32, #tpu.memory_space<vmem>>
      %dma_start3A_464 = tpu.memref_squeeze %dma_start3A_463 : memref<1x640xi32, #tpu.memory_space<vmem>> -> memref<640xi32, #tpu.memory_space<vmem>>
      %dma_start3A_465 = arith.constant 0 : i32
      %dma_start3A_466 = tpu.memref_slice %dma_start3A_464[%dma_start3A_465] : memref<640xi32, #tpu.memory_space<vmem>> -> memref<128xi32, #tpu.memory_space<vmem>>
      %dma_start3A_467 = arith.constant 0 : i32
      %dma_start3A_468 = arith.constant 0 : i32
      %dma_start3A_469 = tpu.memref_slice %arg3[%dma_start3A_467, %dma_start3A_468] : memref<100000x64xf32, #tpu.memory_space<hbm>> -> memref<100000x64xf32, #tpu.memory_space<hbm>>
      tpu.enqueue_indirect_dma source(%dma_start3A_469 : memref<100000x64xf32, #tpu.memory_space<hbm>>) target(%dma_start3A_461 : memref<128x64xf32, #tpu.memory_space<vmem>>) offsets(%dma_start3A_466 : memref<128xi32, #tpu.memory_space<vmem>>) semaphore(%arg9 : memref<!tpu.dma_semaphore, #tpu.memory_space<semaphore_mem>>) {add = true}
      %dma_start3A_470 = arith.constant 0 : i32
      %dma_start3A_471 = arith.constant 0 : i32
      %dma_start3A_472 = arith.constant 0 : i32
      %dma_start3A_473 = arith.constant 0 : i32
      %dma_start3A_474 = tpu.memref_slice %arg7[%dma_start3A_471, %dma_start3A_472, %dma_start3A_473] : memref<2x640x64xf32, #tpu.memory_space<vmem>> -> memref<1x640x64xf32, #tpu.memory_space<vmem>>
      %dma_start3A_475 = tpu.memref_squeeze %dma_start3A_474 : memref<1x640x64xf32, #tpu.memory_space<vmem>> -> memref<640x64xf32, #tpu.memory_space<vmem>>
      %dma_start3A_476 = arith.constant 128 : i32
      %dma_start3A_477 = arith.constant 0 : i32
      %dma_start3A_478 = tpu.memref_slice %dma_start3A_475[%dma_start3A_476, %dma_start3A_477] : memref<640x64xf32, #tpu.memory_space<vmem>> -> memref<128x64xf32, #tpu.memory_space<vmem>>
      %dma_start3A_479 = arith.constant 0 : i32
      %dma_start3A_480 = tpu.memref_slice %arg6[%dma_start3A_470, %dma_start3A_479] : memref<2x640xi32, #tpu.memory_space<vmem>> -> memref<1x640xi32, #tpu.memory_space<vmem>>
      %dma_start3A_481 = tpu.memref_squeeze %dma_start3A_480 : memref<1x640xi32, #tpu.memory_space<vmem>> -> memref<640xi32, #tpu.memory_space<vmem>>
      %dma_start3A_482 = arith.constant 128 : i32
      %dma_start3A_483 = tpu.memref_slice %dma_start3A_481[%dma_start3A_482] : memref<640xi32, #tpu.memory_space<vmem>> -> memref<128xi32, #tpu.memory_space<vmem>>
      %dma_start3A_484 = arith.constant 0 : i32
      %dma_start3A_485 = arith.constant 0 : i32
      %dma_start3A_486 = tpu.memref_slice %arg3[%dma_start3A_484, %dma_start3A_485] : memref<100000x64xf32, #tpu.memory_space<hbm>> -> memref<100000x64xf32, #tpu.memory_space<hbm>>
      tpu.enqueue_indirect_dma source(%dma_start3A_486 : memref<100000x64xf32, #tpu.memory_space<hbm>>) target(%dma_start3A_478 : memref<128x64xf32, #tpu.memory_space<vmem>>) offsets(%dma_start3A_483 : memref<128xi32, #tpu.memory_space<vmem>>) semaphore(%arg9 : memref<!tpu.dma_semaphore, #tpu.memory_space<semaphore_mem>>) {add = true}
      %dma_start3A_487 = arith.constant 0 : i32
      %dma_start3A_488 = arith.constant 0 : i32
      %dma_start3A_489 = arith.constant 0 : i32
      %dma_start3A_490 = arith.constant 0 : i32
      %dma_start3A_491 = tpu.memref_slice %arg7[%dma_start3A_488, %dma_start3A_489, %dma_start3A_490] : memref<2x640x64xf32, #tpu.memory_space<vmem>> -> memref<1x640x64xf32, #tpu.memory_space<vmem>>
      %dma_start3A_492 = tpu.memref_squeeze %dma_start3A_491 : memref<1x640x64xf32, #tpu.memory_space<vmem>> -> memref<640x64xf32, #tpu.memory_space<vmem>>
      %dma_start3A_493 = arith.constant 256 : i32
      %dma_start3A_494 = arith.constant 0 : i32
      %dma_start3A_495 = tpu.memref_slice %dma_start3A_492[%dma_start3A_493, %dma_start3A_494] : memref<640x64xf32, #tpu.memory_space<vmem>> -> memref<128x64xf32, #tpu.memory_space<vmem>>
      %dma_start3A_496 = arith.constant 0 : i32
      %dma_start3A_497 = tpu.memref_slice %arg6[%dma_start3A_487, %dma_start3A_496] : memref<2x640xi32, #tpu.memory_space<vmem>> -> memref<1x640xi32, #tpu.memory_space<vmem>>
      %dma_start3A_498 = tpu.memref_squeeze %dma_start3A_497 : memref<1x640xi32, #tpu.memory_space<vmem>> -> memref<640xi32, #tpu.memory_space<vmem>>
      %dma_start3A_499 = arith.constant 256 : i32
      %dma_start3A_500 = tpu.memref_slice %dma_start3A_498[%dma_start3A_499] : memref<640xi32, #tpu.memory_space<vmem>> -> memref<128xi32, #tpu.memory_space<vmem>>
      %dma_start3A_501 = arith.constant 0 : i32
      %dma_start3A_502 = arith.constant 0 : i32
      %dma_start3A_503 = tpu.memref_slice %arg3[%dma_start3A_501, %dma_start3A_502] : memref<100000x64xf32, #tpu.memory_space<hbm>> -> memref<100000x64xf32, #tpu.memory_space<hbm>>
      tpu.enqueue_indirect_dma source(%dma_start3A_503 : memref<100000x64xf32, #tpu.memory_space<hbm>>) target(%dma_start3A_495 : memref<128x64xf32, #tpu.memory_space<vmem>>) offsets(%dma_start3A_500 : memref<128xi32, #tpu.memory_space<vmem>>) semaphore(%arg9 : memref<!tpu.dma_semaphore, #tpu.memory_space<semaphore_mem>>) {add = true}
      %dma_start3A_504 = arith.constant 0 : i32
      %dma_start3A_505 = arith.constant 0 : i32
      %dma_start3A_506 = arith.constant 0 : i32
      %dma_start3A_507 = arith.constant 0 : i32
      %dma_start3A_508 = tpu.memref_slice %arg7[%dma_start3A_505, %dma_start3A_506, %dma_start3A_507] : memref<2x640x64xf32, #tpu.memory_space<vmem>> -> memref<1x640x64xf32, #tpu.memory_space<vmem>>
      %dma_start3A_509 = tpu.memref_squeeze %dma_start3A_508 : memref<1x640x64xf32, #tpu.memory_space<vmem>> -> memref<640x64xf32, #tpu.memory_space<vmem>>
      %dma_start3A_510 = arith.constant 384 : i32
      %dma_start3A_511 = arith.constant 0 : i32
      %dma_start3A_512 = tpu.memref_slice %dma_start3A_509[%dma_start3A_510, %dma_start3A_511] : memref<640x64xf32, #tpu.memory_space<vmem>> -> memref<128x64xf32, #tpu.memory_space<vmem>>
      %dma_start3A_513 = arith.constant 0 : i32
      %dma_start3A_514 = tpu.memref_slice %arg6[%dma_start3A_504, %dma_start3A_513] : memref<2x640xi32, #tpu.memory_space<vmem>> -> memref<1x640xi32, #tpu.memory_space<vmem>>
      %dma_start3A_515 = tpu.memref_squeeze %dma_start3A_514 : memref<1x640xi32, #tpu.memory_space<vmem>> -> memref<640xi32, #tpu.memory_space<vmem>>
      %dma_start3A_516 = arith.constant 384 : i32
      %dma_start3A_517 = tpu.memref_slice %dma_start3A_515[%dma_start3A_516] : memref<640xi32, #tpu.memory_space<vmem>> -> memref<128xi32, #tpu.memory_space<vmem>>
      %dma_start3A_518 = arith.constant 0 : i32
      %dma_start3A_519 = arith.constant 0 : i32
      %dma_start3A_520 = tpu.memref_slice %arg3[%dma_start3A_518, %dma_start3A_519] : memref<100000x64xf32, #tpu.memory_space<hbm>> -> memref<100000x64xf32, #tpu.memory_space<hbm>>
      tpu.enqueue_indirect_dma source(%dma_start3A_520 : memref<100000x64xf32, #tpu.memory_space<hbm>>) target(%dma_start3A_512 : memref<128x64xf32, #tpu.memory_space<vmem>>) offsets(%dma_start3A_517 : memref<128xi32, #tpu.memory_space<vmem>>) semaphore(%arg9 : memref<!tpu.dma_semaphore, #tpu.memory_space<semaphore_mem>>) {add = true}
      %dma_start3A_521 = arith.constant 0 : i32
      %dma_start3A_522 = arith.constant 0 : i32
      %dma_start3A_523 = arith.constant 0 : i32
      %dma_start3A_524 = arith.constant 0 : i32
      %dma_start3A_525 = tpu.memref_slice %arg7[%dma_start3A_522, %dma_start3A_523, %dma_start3A_524] : memref<2x640x64xf32, #tpu.memory_space<vmem>> -> memref<1x640x64xf32, #tpu.memory_space<vmem>>
      %dma_start3A_526 = tpu.memref_squeeze %dma_start3A_525 : memref<1x640x64xf32, #tpu.memory_space<vmem>> -> memref<640x64xf32, #tpu.memory_space<vmem>>
      %dma_start3A_527 = arith.constant 512 : i32
      %dma_start3A_528 = arith.constant 0 : i32
      %dma_start3A_529 = tpu.memref_slice %dma_start3A_526[%dma_start3A_527, %dma_start3A_528] : memref<640x64xf32, #tpu.memory_space<vmem>> -> memref<128x64xf32, #tpu.memory_space<vmem>>
      %dma_start3A_530 = arith.constant 0 : i32
      %dma_start3A_531 = tpu.memref_slice %arg6[%dma_start3A_521, %dma_start3A_530] : memref<2x640xi32, #tpu.memory_space<vmem>> -> memref<1x640xi32, #tpu.memory_space<vmem>>
      %dma_start3A_532 = tpu.memref_squeeze %dma_start3A_531 : memref<1x640xi32, #tpu.memory_space<vmem>> -> memref<640xi32, #tpu.memory_space<vmem>>
      %dma_start3A_533 = arith.constant 512 : i32
      %dma_start3A_534 = tpu.memref_slice %dma_start3A_532[%dma_start3A_533] : memref<640xi32, #tpu.memory_space<vmem>> -> memref<128xi32, #tpu.memory_space<vmem>>
      %dma_start3A_535 = arith.constant 0 : i32
      %dma_start3A_536 = arith.constant 0 : i32
      %dma_start3A_537 = tpu.memref_slice %arg3[%dma_start3A_535, %dma_start3A_536] : memref<100000x64xf32, #tpu.memory_space<hbm>> -> memref<100000x64xf32, #tpu.memory_space<hbm>>
      tpu.enqueue_indirect_dma source(%dma_start3A_537 : memref<100000x64xf32, #tpu.memory_space<hbm>>) target(%dma_start3A_529 : memref<128x64xf32, #tpu.memory_space<vmem>>) offsets(%dma_start3A_534 : memref<128xi32, #tpu.memory_space<vmem>>) semaphore(%arg9 : memref<!tpu.dma_semaphore, #tpu.memory_space<semaphore_mem>>) {add = true}
      %dma_wait3A_538 = arith.constant 1 : i32
      %dma_wait3A_539 = arith.constant 1 : i32
      %dma_wait3A_540 = arith.constant 0 : i32
      %dma_wait3A_541 = arith.constant 0 : i32
      %dma_wait3A_542 = tpu.memref_slice %arg7[%dma_wait3A_539, %dma_wait3A_540, %dma_wait3A_541] : memref<2x640x64xf32, #tpu.memory_space<vmem>> -> memref<1x640x64xf32, #tpu.memory_space<vmem>>
      %dma_wait3A_543 = tpu.memref_squeeze %dma_wait3A_542 : memref<1x640x64xf32, #tpu.memory_space<vmem>> -> memref<640x64xf32, #tpu.memory_space<vmem>>
      %dma_wait3A_544 = arith.constant 0 : i32
      %dma_wait3A_545 = arith.constant 0 : i32
      %dma_wait3A_546 = tpu.memref_slice %dma_wait3A_543[%dma_wait3A_544, %dma_wait3A_545] : memref<640x64xf32, #tpu.memory_space<vmem>> -> memref<128x64xf32, #tpu.memory_space<vmem>>
      %dma_wait3A_547 = arith.constant 0 : i32
      %dma_wait3A_548 = tpu.memref_slice %arg6[%dma_wait3A_538, %dma_wait3A_547] : memref<2x640xi32, #tpu.memory_space<vmem>> -> memref<1x640xi32, #tpu.memory_space<vmem>>
      %dma_wait3A_549 = tpu.memref_squeeze %dma_wait3A_548 : memref<1x640xi32, #tpu.memory_space<vmem>> -> memref<640xi32, #tpu.memory_space<vmem>>
      %dma_wait3A_550 = arith.constant 0 : i32
      %dma_wait3A_551 = tpu.memref_slice %dma_wait3A_549[%dma_wait3A_550] : memref<640xi32, #tpu.memory_space<vmem>> -> memref<128xi32, #tpu.memory_space<vmem>>
      %dma_wait3A_552 = arith.constant 0 : i32
      %dma_wait3A_553 = arith.constant 0 : i32
      %dma_wait3A_554 = tpu.memref_slice %arg3[%dma_wait3A_552, %dma_wait3A_553] : memref<100000x64xf32, #tpu.memory_space<hbm>> -> memref<100000x64xf32, #tpu.memory_space<hbm>>
      tpu.wait_indirect_dma semaphore(%arg10 : memref<!tpu.dma_semaphore, #tpu.memory_space<semaphore_mem>>) src(%dma_wait3A_554 : memref<100000x64xf32, #tpu.memory_space<hbm>>) dst(%dma_wait3A_546 : memref<128x64xf32, #tpu.memory_space<vmem>>)
      %dma_wait3A_555 = arith.constant 1 : i32
      %dma_wait3A_556 = arith.constant 1 : i32
      %dma_wait3A_557 = arith.constant 0 : i32
      %dma_wait3A_558 = arith.constant 0 : i32
      %dma_wait3A_559 = tpu.memref_slice %arg7[%dma_wait3A_556, %dma_wait3A_557, %dma_wait3A_558] : memref<2x640x64xf32, #tpu.memory_space<vmem>> -> memref<1x640x64xf32, #tpu.memory_space<vmem>>
      %dma_wait3A_560 = tpu.memref_squeeze %dma_wait3A_559 : memref<1x640x64xf32, #tpu.memory_space<vmem>> -> memref<640x64xf32, #tpu.memory_space<vmem>>
      %dma_wait3A_561 = arith.constant 128 : i32
      %dma_wait3A_562 = arith.constant 0 : i32
      %dma_wait3A_563 = tpu.memref_slice %dma_wait3A_560[%dma_wait3A_561, %dma_wait3A_562] : memref<640x64xf32, #tpu.memory_space<vmem>> -> memref<128x64xf32, #tpu.memory_space<vmem>>
      %dma_wait3A_564 = arith.constant 0 : i32
      %dma_wait3A_565 = tpu.memref_slice %arg6[%dma_wait3A_555, %dma_wait3A_564] : memref<2x640xi32, #tpu.memory_space<vmem>> -> memref<1x640xi32, #tpu.memory_space<vmem>>
      %dma_wait3A_566 = tpu.memref_squeeze %dma_wait3A_565 : memref<1x640xi32, #tpu.memory_space<vmem>> -> memref<640xi32, #tpu.memory_space<vmem>>
      %dma_wait3A_567 = arith.constant 128 : i32
      %dma_wait3A_568 = tpu.memref_slice %dma_wait3A_566[%dma_wait3A_567] : memref<640xi32, #tpu.memory_space<vmem>> -> memref<128xi32, #tpu.memory_space<vmem>>
      %dma_wait3A_569 = arith.constant 0 : i32
      %dma_wait3A_570 = arith.constant 0 : i32
      %dma_wait3A_571 = tpu.memref_slice %arg3[%dma_wait3A_569, %dma_wait3A_570] : memref<100000x64xf32, #tpu.memory_space<hbm>> -> memref<100000x64xf32, #tpu.memory_space<hbm>>
      tpu.wait_indirect_dma semaphore(%arg10 : memref<!tpu.dma_semaphore, #tpu.memory_space<semaphore_mem>>) src(%dma_wait3A_571 : memref<100000x64xf32, #tpu.memory_space<hbm>>) dst(%dma_wait3A_563 : memref<128x64xf32, #tpu.memory_space<vmem>>)
      %dma_wait3A_572 = arith.constant 1 : i32
      %dma_wait3A_573 = arith.constant 1 : i32
      %dma_wait3A_574 = arith.constant 0 : i32
      %dma_wait3A_575 = arith.constant 0 : i32
      %dma_wait3A_576 = tpu.memref_slice %arg7[%dma_wait3A_573, %dma_wait3A_574, %dma_wait3A_575] : memref<2x640x64xf32, #tpu.memory_space<vmem>> -> memref<1x640x64xf32, #tpu.memory_space<vmem>>
      %dma_wait3A_577 = tpu.memref_squeeze %dma_wait3A_576 : memref<1x640x64xf32, #tpu.memory_space<vmem>> -> memref<640x64xf32, #tpu.memory_space<vmem>>
      %dma_wait3A_578 = arith.constant 256 : i32
      %dma_wait3A_579 = arith.constant 0 : i32
      %dma_wait3A_580 = tpu.memref_slice %dma_wait3A_577[%dma_wait3A_578, %dma_wait3A_579] : memref<640x64xf32, #tpu.memory_space<vmem>> -> memref<128x64xf32, #tpu.memory_space<vmem>>
      %dma_wait3A_581 = arith.constant 0 : i32
      %dma_wait3A_582 = tpu.memref_slice %arg6[%dma_wait3A_572, %dma_wait3A_581] : memref<2x640xi32, #tpu.memory_space<vmem>> -> memref<1x640xi32, #tpu.memory_space<vmem>>
      %dma_wait3A_583 = tpu.memref_squeeze %dma_wait3A_582 : memref<1x640xi32, #tpu.memory_space<vmem>> -> memref<640xi32, #tpu.memory_space<vmem>>
      %dma_wait3A_584 = arith.constant 256 : i32
      %dma_wait3A_585 = tpu.memref_slice %dma_wait3A_583[%dma_wait3A_584] : memref<640xi32, #tpu.memory_space<vmem>> -> memref<128xi32, #tpu.memory_space<vmem>>
      %dma_wait3A_586 = arith.constant 0 : i32
      %dma_wait3A_587 = arith.constant 0 : i32
      %dma_wait3A_588 = tpu.memref_slice %arg3[%dma_wait3A_586, %dma_wait3A_587] : memref<100000x64xf32, #tpu.memory_space<hbm>> -> memref<100000x64xf32, #tpu.memory_space<hbm>>
      tpu.wait_indirect_dma semaphore(%arg10 : memref<!tpu.dma_semaphore, #tpu.memory_space<semaphore_mem>>) src(%dma_wait3A_588 : memref<100000x64xf32, #tpu.memory_space<hbm>>) dst(%dma_wait3A_580 : memref<128x64xf32, #tpu.memory_space<vmem>>)
      %dma_wait3A_589 = arith.constant 1 : i32
      %dma_wait3A_590 = arith.constant 1 : i32
      %dma_wait3A_591 = arith.constant 0 : i32
      %dma_wait3A_592 = arith.constant 0 : i32
      %dma_wait3A_593 = tpu.memref_slice %arg7[%dma_wait3A_590, %dma_wait3A_591, %dma_wait3A_592] : memref<2x640x64xf32, #tpu.memory_space<vmem>> -> memref<1x640x64xf32, #tpu.memory_space<vmem>>
      %dma_wait3A_594 = tpu.memref_squeeze %dma_wait3A_593 : memref<1x640x64xf32, #tpu.memory_space<vmem>> -> memref<640x64xf32, #tpu.memory_space<vmem>>
      %dma_wait3A_595 = arith.constant 384 : i32
      %dma_wait3A_596 = arith.constant 0 : i32
      %dma_wait3A_597 = tpu.memref_slice %dma_wait3A_594[%dma_wait3A_595, %dma_wait3A_596] : memref<640x64xf32, #tpu.memory_space<vmem>> -> memref<128x64xf32, #tpu.memory_space<vmem>>
      %dma_wait3A_598 = arith.constant 0 : i32
      %dma_wait3A_599 = tpu.memref_slice %arg6[%dma_wait3A_589, %dma_wait3A_598] : memref<2x640xi32, #tpu.memory_space<vmem>> -> memref<1x640xi32, #tpu.memory_space<vmem>>
      %dma_wait3A_600 = tpu.memref_squeeze %dma_wait3A_599 : memref<1x640xi32, #tpu.memory_space<vmem>> -> memref<640xi32, #tpu.memory_space<vmem>>
      %dma_wait3A_601 = arith.constant 384 : i32
      %dma_wait3A_602 = tpu.memref_slice %dma_wait3A_600[%dma_wait3A_601] : memref<640xi32, #tpu.memory_space<vmem>> -> memref<128xi32, #tpu.memory_space<vmem>>
      %dma_wait3A_603 = arith.constant 0 : i32
      %dma_wait3A_604 = arith.constant 0 : i32
      %dma_wait3A_605 = tpu.memref_slice %arg3[%dma_wait3A_603, %dma_wait3A_604] : memref<100000x64xf32, #tpu.memory_space<hbm>> -> memref<100000x64xf32, #tpu.memory_space<hbm>>
      tpu.wait_indirect_dma semaphore(%arg10 : memref<!tpu.dma_semaphore, #tpu.memory_space<semaphore_mem>>) src(%dma_wait3A_605 : memref<100000x64xf32, #tpu.memory_space<hbm>>) dst(%dma_wait3A_597 : memref<128x64xf32, #tpu.memory_space<vmem>>)
      %dma_wait3A_606 = arith.constant 1 : i32
      %dma_wait3A_607 = arith.constant 1 : i32
      %dma_wait3A_608 = arith.constant 0 : i32
      %dma_wait3A_609 = arith.constant 0 : i32
      %dma_wait3A_610 = tpu.memref_slice %arg7[%dma_wait3A_607, %dma_wait3A_608, %dma_wait3A_609] : memref<2x640x64xf32, #tpu.memory_space<vmem>> -> memref<1x640x64xf32, #tpu.memory_space<vmem>>
      %dma_wait3A_611 = tpu.memref_squeeze %dma_wait3A_610 : memref<1x640x64xf32, #tpu.memory_space<vmem>> -> memref<640x64xf32, #tpu.memory_space<vmem>>
      %dma_wait3A_612 = arith.constant 512 : i32
      %dma_wait3A_613 = arith.constant 0 : i32
      %dma_wait3A_614 = tpu.memref_slice %dma_wait3A_611[%dma_wait3A_612, %dma_wait3A_613] : memref<640x64xf32, #tpu.memory_space<vmem>> -> memref<128x64xf32, #tpu.memory_space<vmem>>
      %dma_wait3A_615 = arith.constant 0 : i32
      %dma_wait3A_616 = tpu.memref_slice %arg6[%dma_wait3A_606, %dma_wait3A_615] : memref<2x640xi32, #tpu.memory_space<vmem>> -> memref<1x640xi32, #tpu.memory_space<vmem>>
      %dma_wait3A_617 = tpu.memref_squeeze %dma_wait3A_616 : memref<1x640xi32, #tpu.memory_space<vmem>> -> memref<640xi32, #tpu.memory_space<vmem>>
      %dma_wait3A_618 = arith.constant 512 : i32
      %dma_wait3A_619 = tpu.memref_slice %dma_wait3A_617[%dma_wait3A_618] : memref<640xi32, #tpu.memory_space<vmem>> -> memref<128xi32, #tpu.memory_space<vmem>>
      %dma_wait3A_620 = arith.constant 0 : i32
      %dma_wait3A_621 = arith.constant 0 : i32
      %dma_wait3A_622 = tpu.memref_slice %arg3[%dma_wait3A_620, %dma_wait3A_621] : memref<100000x64xf32, #tpu.memory_space<hbm>> -> memref<100000x64xf32, #tpu.memory_space<hbm>>
      tpu.wait_indirect_dma semaphore(%arg10 : memref<!tpu.dma_semaphore, #tpu.memory_space<semaphore_mem>>) src(%dma_wait3A_622 : memref<100000x64xf32, #tpu.memory_space<hbm>>) dst(%dma_wait3A_614 : memref<128x64xf32, #tpu.memory_space<vmem>>)
      %mul3A_623 = arith.constant 640 : i32
      %mul3A_624 = arith.muli %add3A_424, %mul3A_623 : i32
      %add3A_625 = arith.addi %mul3A_2, %mul3A_624 : i32
      %dma_start3A_626 = arith.constant 1 : i32
      %dma_start3A_627 = arith.constant 0 : i32
      %dma_start3A_628 = arith.constant 0 : i32
      %dma_start3A_629 = tpu.memref_slice %arg7[%dma_start3A_626, %dma_start3A_627, %dma_start3A_628] : memref<2x640x64xf32, #tpu.memory_space<vmem>> -> memref<1x640x64xf32, #tpu.memory_space<vmem>>
      %dma_start3A_630 = tpu.memref_squeeze %dma_start3A_629 : memref<1x640x64xf32, #tpu.memory_space<vmem>> -> memref<640x64xf32, #tpu.memory_space<vmem>>
      %dma_start3A_631 = arith.constant 0 : i32
      %dma_start3A_632 = tpu.memref_slice %arg5[%add3A_625, %dma_start3A_631] : memref<819200x64xf32, #tpu.memory_space<hbm>> -> memref<640x64xf32, #tpu.memory_space<hbm>>
      %dma_start3A_633 = arith.constant 0 : i32
      %dma_start3A_634 = tpu.memref_slice %arg5[%add3A_625, %dma_start3A_633] : memref<819200x64xf32, #tpu.memory_space<hbm>> -> memref<640x64xf32, #tpu.memory_space<hbm>>
      %dma_start3A_635 = arith.constant 0 : i32
      %dma_start3A_636 = arith.constant 0 : i32
      %dma_start3A_637 = tpu.memref_slice %arg7[%dma_start3A_626, %dma_start3A_635, %dma_start3A_636] : memref<2x640x64xf32, #tpu.memory_space<vmem>> -> memref<1x640x64xf32, #tpu.memory_space<vmem>>
      %dma_start3A_638 = tpu.memref_squeeze %dma_start3A_637 : memref<1x640x64xf32, #tpu.memory_space<vmem>> -> memref<640x64xf32, #tpu.memory_space<vmem>>
      tpu.enqueue_dma source(%dma_start3A_638 : memref<640x64xf32, #tpu.memory_space<vmem>>) target(%dma_start3A_634 : memref<640x64xf32, #tpu.memory_space<hbm>>) target_semaphore(%arg12 : memref<!tpu.dma_semaphore, #tpu.memory_space<semaphore_mem>>)
      %mul3A_639 = arith.constant 2 : i32
      %mul3A_640 = arith.muli %mul3A_639, %scan3A_420 : i32
      %add3A_641 = arith.constant 2 : i32
      %add3A_642 = arith.addi %mul3A_640, %add3A_641 : i32
      %sub3A_643 = arith.constant 1 : i32
      %sub3A_644 = arith.subi %add3A_642, %sub3A_643 : i32
      %mul3A_645 = arith.constant 640 : i32
      %mul3A_646 = arith.muli %sub3A_644, %mul3A_645 : i32
      %add3A_647 = arith.addi %mul3A_2, %mul3A_646 : i32
      %dma_wait3A_648 = arith.constant 1 : i32
      %dma_wait3A_649 = arith.constant 0 : i32
      %dma_wait3A_650 = arith.constant 0 : i32
      %dma_wait3A_651 = tpu.memref_slice %arg7[%dma_wait3A_648, %dma_wait3A_649, %dma_wait3A_650] : memref<2x640x64xf32, #tpu.memory_space<vmem>> -> memref<1x640x64xf32, #tpu.memory_space<vmem>>
      %dma_wait3A_652 = tpu.memref_squeeze %dma_wait3A_651 : memref<1x640x64xf32, #tpu.memory_space<vmem>> -> memref<640x64xf32, #tpu.memory_space<vmem>>
      %dma_wait3A_653 = arith.constant 0 : i32
      %dma_wait3A_654 = tpu.memref_slice %arg5[%add3A_647, %dma_wait3A_653] : memref<819200x64xf32, #tpu.memory_space<hbm>> -> memref<640x64xf32, #tpu.memory_space<hbm>>
      %dma_wait3A_655 = arith.constant 0 : i32
      %dma_wait3A_656 = tpu.memref_slice %arg5[%add3A_647, %dma_wait3A_655] : memref<819200x64xf32, #tpu.memory_space<hbm>> -> memref<640x64xf32, #tpu.memory_space<hbm>>
      %dma_wait3A_657 = arith.constant 0 : i32
      %dma_wait3A_658 = arith.constant 0 : i32
      %dma_wait3A_659 = tpu.memref_slice %arg7[%dma_wait3A_648, %dma_wait3A_657, %dma_wait3A_658] : memref<2x640x64xf32, #tpu.memory_space<vmem>> -> memref<1x640x64xf32, #tpu.memory_space<vmem>>
      %dma_wait3A_660 = tpu.memref_squeeze %dma_wait3A_659 : memref<1x640x64xf32, #tpu.memory_space<vmem>> -> memref<640x64xf32, #tpu.memory_space<vmem>>
      tpu.wait_dma2 semaphore(%arg12 : memref<!tpu.dma_semaphore, #tpu.memory_space<semaphore_mem>>) src(%dma_wait3A_660 : memref<640x64xf32, #tpu.memory_space<vmem>>) dst(%dma_wait3A_656 : memref<640x64xf32, #tpu.memory_space<hbm>>)
      %add3A_661 = arith.constant 1 : i32
      %add3A_662 = arith.addi %add3A_642, %add3A_661 : i32
      %mul3A_663 = arith.constant 640 : i32
      %mul3A_664 = arith.muli %add3A_662, %mul3A_663 : i32
      %rem3A_665 = arith.constant 200 : i32
      %rem3A_666 = arith.remsi %mul3A_664, %rem3A_665 : i32
      %mul3A_667 = arith.constant 640 : i32
      %mul3A_668 = arith.muli %add3A_662, %mul3A_667 : i32
      %add3A_669 = arith.addi %mul3A_2, %mul3A_668 : i32
      %run_scoped3A_670 = arith.constant 1 : i32
      "tpu.region"() ({
        %run_scoped3A_858 = tpu.sem_alloc : memref<!tpu.dma_semaphore, #tpu.memory_space<semaphore_mem>>
        %dma_start3A_859 = arith.constant 0 : i32
        %dma_start3A_860 = tpu.memref_slice %arg6[%run_scoped3A_670, %dma_start3A_859] : memref<2x640xi32, #tpu.memory_space<vmem>> -> memref<1x640xi32, #tpu.memory_space<vmem>>
        %dma_start3A_861 = tpu.memref_squeeze %dma_start3A_860 : memref<1x640xi32, #tpu.memory_space<vmem>> -> memref<640xi32, #tpu.memory_space<vmem>>
        %dma_start3A_862 = tpu.memref_slice %arg2[%add3A_669] : memref<819200xi32, #tpu.memory_space<hbm>> -> memref<640xi32, #tpu.memory_space<hbm>>
        %dma_start3A_863 = arith.constant 0 : i32
        %dma_start3A_864 = tpu.memref_slice %arg6[%run_scoped3A_670, %dma_start3A_863] : memref<2x640xi32, #tpu.memory_space<vmem>> -> memref<1x640xi32, #tpu.memory_space<vmem>>
        %dma_start3A_865 = tpu.memref_squeeze %dma_start3A_864 : memref<1x640xi32, #tpu.memory_space<vmem>> -> memref<640xi32, #tpu.memory_space<vmem>>
        %dma_start3A_866 = tpu.memref_slice %arg2[%add3A_669] : memref<819200xi32, #tpu.memory_space<hbm>> -> memref<640xi32, #tpu.memory_space<hbm>>
        tpu.enqueue_dma source(%dma_start3A_866 : memref<640xi32, #tpu.memory_space<hbm>>) target(%dma_start3A_865 : memref<640xi32, #tpu.memory_space<vmem>>) target_semaphore(%run_scoped3A_858 : memref<!tpu.dma_semaphore, #tpu.memory_space<semaphore_mem>>)
        %dma_wait3A_867 = arith.constant 0 : i32
        %dma_wait3A_868 = tpu.memref_slice %arg6[%run_scoped3A_670, %dma_wait3A_867] : memref<2x640xi32, #tpu.memory_space<vmem>> -> memref<1x640xi32, #tpu.memory_space<vmem>>
        %dma_wait3A_869 = tpu.memref_squeeze %dma_wait3A_868 : memref<1x640xi32, #tpu.memory_space<vmem>> -> memref<640xi32, #tpu.memory_space<vmem>>
        %dma_wait3A_870 = tpu.memref_slice %arg2[%add3A_669] : memref<819200xi32, #tpu.memory_space<hbm>> -> memref<640xi32, #tpu.memory_space<hbm>>
        %dma_wait3A_871 = arith.constant 0 : i32
        %dma_wait3A_872 = tpu.memref_slice %arg6[%run_scoped3A_670, %dma_wait3A_871] : memref<2x640xi32, #tpu.memory_space<vmem>> -> memref<1x640xi32, #tpu.memory_space<vmem>>
        %dma_wait3A_873 = tpu.memref_squeeze %dma_wait3A_872 : memref<1x640xi32, #tpu.memory_space<vmem>> -> memref<640xi32, #tpu.memory_space<vmem>>
        %dma_wait3A_874 = tpu.memref_slice %arg2[%add3A_669] : memref<819200xi32, #tpu.memory_space<hbm>> -> memref<640xi32, #tpu.memory_space<hbm>>
        tpu.wait_dma2 semaphore(%run_scoped3A_858 : memref<!tpu.dma_semaphore, #tpu.memory_space<semaphore_mem>>) src(%dma_wait3A_874 : memref<640xi32, #tpu.memory_space<hbm>>) dst(%dma_wait3A_873 : memref<640xi32, #tpu.memory_space<vmem>>)
        tpu.yield
      }) : () -> ()
      %run_scoped3A_671 = arith.constant 1 : i32
      "tpu.region"() ({
        %run_scoped3A_858 = tpu.sem_alloc : memref<!tpu.dma_semaphore, #tpu.memory_space<semaphore_mem>>
        %dma_start3A_859 = arith.constant 0 : i32
        %dma_start3A_860 = arith.constant 0 : i32
        %dma_start3A_861 = tpu.memref_slice %arg7[%run_scoped3A_671, %dma_start3A_859, %dma_start3A_860] : memref<2x640x64xf32, #tpu.memory_space<vmem>> -> memref<1x640x64xf32, #tpu.memory_space<vmem>>
        %dma_start3A_862 = tpu.memref_squeeze %dma_start3A_861 : memref<1x640x64xf32, #tpu.memory_space<vmem>> -> memref<640x64xf32, #tpu.memory_space<vmem>>
        %dma_start3A_863 = arith.constant 0 : i32
        %dma_start3A_864 = tpu.memref_slice %arg8[%rem3A_666, %dma_start3A_863] : memref<800x64xf32, #tpu.memory_space<vmem_shared>> -> memref<640x64xf32, #tpu.memory_space<vmem_shared>>
        %dma_start3A_865 = arith.constant 0 : i32
        %dma_start3A_866 = arith.constant 0 : i32
        %dma_start3A_867 = tpu.memref_slice %arg7[%run_scoped3A_671, %dma_start3A_865, %dma_start3A_866] : memref<2x640x64xf32, #tpu.memory_space<vmem>> -> memref<1x640x64xf32, #tpu.memory_space<vmem>>
        %dma_start3A_868 = tpu.memref_squeeze %dma_start3A_867 : memref<1x640x64xf32, #tpu.memory_space<vmem>> -> memref<640x64xf32, #tpu.memory_space<vmem>>
        %dma_start3A_869 = arith.constant 0 : i32
        %dma_start3A_870 = tpu.memref_slice %arg8[%rem3A_666, %dma_start3A_869] : memref<800x64xf32, #tpu.memory_space<vmem_shared>> -> memref<640x64xf32, #tpu.memory_space<vmem_shared>>
        tpu.enqueue_dma source(%dma_start3A_870 : memref<640x64xf32, #tpu.memory_space<vmem_shared>>) target(%dma_start3A_868 : memref<640x64xf32, #tpu.memory_space<vmem>>) target_semaphore(%run_scoped3A_858 : memref<!tpu.dma_semaphore, #tpu.memory_space<semaphore_mem>>)
        %dma_wait3A_871 = arith.constant 0 : i32
        %dma_wait3A_872 = arith.constant 0 : i32
        %dma_wait3A_873 = tpu.memref_slice %arg7[%run_scoped3A_671, %dma_wait3A_871, %dma_wait3A_872] : memref<2x640x64xf32, #tpu.memory_space<vmem>> -> memref<1x640x64xf32, #tpu.memory_space<vmem>>
        %dma_wait3A_874 = tpu.memref_squeeze %dma_wait3A_873 : memref<1x640x64xf32, #tpu.memory_space<vmem>> -> memref<640x64xf32, #tpu.memory_space<vmem>>
        %dma_wait3A_875 = arith.constant 0 : i32
        %dma_wait3A_876 = tpu.memref_slice %arg8[%rem3A_666, %dma_wait3A_875] : memref<800x64xf32, #tpu.memory_space<vmem_shared>> -> memref<640x64xf32, #tpu.memory_space<vmem_shared>>
        %dma_wait3A_877 = arith.constant 0 : i32
        %dma_wait3A_878 = arith.constant 0 : i32
        %dma_wait3A_879 = tpu.memref_slice %arg7[%run_scoped3A_671, %dma_wait3A_877, %dma_wait3A_878] : memref<2x640x64xf32, #tpu.memory_space<vmem>> -> memref<1x640x64xf32, #tpu.memory_space<vmem>>
        %dma_wait3A_880 = tpu.memref_squeeze %dma_wait3A_879 : memref<1x640x64xf32, #tpu.memory_space<vmem>> -> memref<640x64xf32, #tpu.memory_space<vmem>>
        %dma_wait3A_881 = arith.constant 0 : i32
        %dma_wait3A_882 = tpu.memref_slice %arg8[%rem3A_666, %dma_wait3A_881] : memref<800x64xf32, #tpu.memory_space<vmem_shared>> -> memref<640x64xf32, #tpu.memory_space<vmem_shared>>
        tpu.wait_dma2 semaphore(%run_scoped3A_858 : memref<!tpu.dma_semaphore, #tpu.memory_space<semaphore_mem>>) src(%dma_wait3A_882 : memref<640x64xf32, #tpu.memory_space<vmem_shared>>) dst(%dma_wait3A_880 : memref<640x64xf32, #tpu.memory_space<vmem>>)
        tpu.yield
      }) : () -> ()
      %dma_start3A_672 = arith.constant 1 : i32
      %dma_start3A_673 = arith.constant 1 : i32
      %dma_start3A_674 = arith.constant 0 : i32
      %dma_start3A_675 = arith.constant 0 : i32
      %dma_start3A_676 = tpu.memref_slice %arg7[%dma_start3A_673, %dma_start3A_674, %dma_start3A_675] : memref<2x640x64xf32, #tpu.memory_space<vmem>> -> memref<1x640x64xf32, #tpu.memory_space<vmem>>
      %dma_start3A_677 = tpu.memref_squeeze %dma_start3A_676 : memref<1x640x64xf32, #tpu.memory_space<vmem>> -> memref<640x64xf32, #tpu.memory_space<vmem>>
      %dma_start3A_678 = arith.constant 0 : i32
      %dma_start3A_679 = arith.constant 0 : i32
      %dma_start3A_680 = tpu.memref_slice %dma_start3A_677[%dma_start3A_678, %dma_start3A_679] : memref<640x64xf32, #tpu.memory_space<vmem>> -> memref<128x64xf32, #tpu.memory_space<vmem>>
      %dma_start3A_681 = arith.constant 0 : i32
      %dma_start3A_682 = tpu.memref_slice %arg6[%dma_start3A_672, %dma_start3A_681] : memref<2x640xi32, #tpu.memory_space<vmem>> -> memref<1x640xi32, #tpu.memory_space<vmem>>
      %dma_start3A_683 = tpu.memref_squeeze %dma_start3A_682 : memref<1x640xi32, #tpu.memory_space<vmem>> -> memref<640xi32, #tpu.memory_space<vmem>>
      %dma_start3A_684 = arith.constant 0 : i32
      %dma_start3A_685 = tpu.memref_slice %dma_start3A_683[%dma_start3A_684] : memref<640xi32, #tpu.memory_space<vmem>> -> memref<128xi32, #tpu.memory_space<vmem>>
      %dma_start3A_686 = arith.constant 0 : i32
      %dma_start3A_687 = arith.constant 0 : i32
      %dma_start3A_688 = tpu.memref_slice %arg3[%dma_start3A_686, %dma_start3A_687] : memref<100000x64xf32, #tpu.memory_space<hbm>> -> memref<100000x64xf32, #tpu.memory_space<hbm>>
      tpu.enqueue_indirect_dma source(%dma_start3A_688 : memref<100000x64xf32, #tpu.memory_space<hbm>>) target(%dma_start3A_680 : memref<128x64xf32, #tpu.memory_space<vmem>>) offsets(%dma_start3A_685 : memref<128xi32, #tpu.memory_space<vmem>>) semaphore(%arg10 : memref<!tpu.dma_semaphore, #tpu.memory_space<semaphore_mem>>) {add = true}
      %dma_start3A_689 = arith.constant 1 : i32
      %dma_start3A_690 = arith.constant 1 : i32
      %dma_start3A_691 = arith.constant 0 : i32
      %dma_start3A_692 = arith.constant 0 : i32
      %dma_start3A_693 = tpu.memref_slice %arg7[%dma_start3A_690, %dma_start3A_691, %dma_start3A_692] : memref<2x640x64xf32, #tpu.memory_space<vmem>> -> memref<1x640x64xf32, #tpu.memory_space<vmem>>
      %dma_start3A_694 = tpu.memref_squeeze %dma_start3A_693 : memref<1x640x64xf32, #tpu.memory_space<vmem>> -> memref<640x64xf32, #tpu.memory_space<vmem>>
      %dma_start3A_695 = arith.constant 128 : i32
      %dma_start3A_696 = arith.constant 0 : i32
      %dma_start3A_697 = tpu.memref_slice %dma_start3A_694[%dma_start3A_695, %dma_start3A_696] : memref<640x64xf32, #tpu.memory_space<vmem>> -> memref<128x64xf32, #tpu.memory_space<vmem>>
      %dma_start3A_698 = arith.constant 0 : i32
      %dma_start3A_699 = tpu.memref_slice %arg6[%dma_start3A_689, %dma_start3A_698] : memref<2x640xi32, #tpu.memory_space<vmem>> -> memref<1x640xi32, #tpu.memory_space<vmem>>
      %dma_start3A_700 = tpu.memref_squeeze %dma_start3A_699 : memref<1x640xi32, #tpu.memory_space<vmem>> -> memref<640xi32, #tpu.memory_space<vmem>>
      %dma_start3A_701 = arith.constant 128 : i32
      %dma_start3A_702 = tpu.memref_slice %dma_start3A_700[%dma_start3A_701] : memref<640xi32, #tpu.memory_space<vmem>> -> memref<128xi32, #tpu.memory_space<vmem>>
      %dma_start3A_703 = arith.constant 0 : i32
      %dma_start3A_704 = arith.constant 0 : i32
      %dma_start3A_705 = tpu.memref_slice %arg3[%dma_start3A_703, %dma_start3A_704] : memref<100000x64xf32, #tpu.memory_space<hbm>> -> memref<100000x64xf32, #tpu.memory_space<hbm>>
      tpu.enqueue_indirect_dma source(%dma_start3A_705 : memref<100000x64xf32, #tpu.memory_space<hbm>>) target(%dma_start3A_697 : memref<128x64xf32, #tpu.memory_space<vmem>>) offsets(%dma_start3A_702 : memref<128xi32, #tpu.memory_space<vmem>>) semaphore(%arg10 : memref<!tpu.dma_semaphore, #tpu.memory_space<semaphore_mem>>) {add = true}
      %dma_start3A_706 = arith.constant 1 : i32
      %dma_start3A_707 = arith.constant 1 : i32
      %dma_start3A_708 = arith.constant 0 : i32
      %dma_start3A_709 = arith.constant 0 : i32
      %dma_start3A_710 = tpu.memref_slice %arg7[%dma_start3A_707, %dma_start3A_708, %dma_start3A_709] : memref<2x640x64xf32, #tpu.memory_space<vmem>> -> memref<1x640x64xf32, #tpu.memory_space<vmem>>
      %dma_start3A_711 = tpu.memref_squeeze %dma_start3A_710 : memref<1x640x64xf32, #tpu.memory_space<vmem>> -> memref<640x64xf32, #tpu.memory_space<vmem>>
      %dma_start3A_712 = arith.constant 256 : i32
      %dma_start3A_713 = arith.constant 0 : i32
      %dma_start3A_714 = tpu.memref_slice %dma_start3A_711[%dma_start3A_712, %dma_start3A_713] : memref<640x64xf32, #tpu.memory_space<vmem>> -> memref<128x64xf32, #tpu.memory_space<vmem>>
      %dma_start3A_715 = arith.constant 0 : i32
      %dma_start3A_716 = tpu.memref_slice %arg6[%dma_start3A_706, %dma_start3A_715] : memref<2x640xi32, #tpu.memory_space<vmem>> -> memref<1x640xi32, #tpu.memory_space<vmem>>
      %dma_start3A_717 = tpu.memref_squeeze %dma_start3A_716 : memref<1x640xi32, #tpu.memory_space<vmem>> -> memref<640xi32, #tpu.memory_space<vmem>>
      %dma_start3A_718 = arith.constant 256 : i32
      %dma_start3A_719 = tpu.memref_slice %dma_start3A_717[%dma_start3A_718] : memref<640xi32, #tpu.memory_space<vmem>> -> memref<128xi32, #tpu.memory_space<vmem>>
      %dma_start3A_720 = arith.constant 0 : i32
      %dma_start3A_721 = arith.constant 0 : i32
      %dma_start3A_722 = tpu.memref_slice %arg3[%dma_start3A_720, %dma_start3A_721] : memref<100000x64xf32, #tpu.memory_space<hbm>> -> memref<100000x64xf32, #tpu.memory_space<hbm>>
      tpu.enqueue_indirect_dma source(%dma_start3A_722 : memref<100000x64xf32, #tpu.memory_space<hbm>>) target(%dma_start3A_714 : memref<128x64xf32, #tpu.memory_space<vmem>>) offsets(%dma_start3A_719 : memref<128xi32, #tpu.memory_space<vmem>>) semaphore(%arg10 : memref<!tpu.dma_semaphore, #tpu.memory_space<semaphore_mem>>) {add = true}
      %dma_start3A_723 = arith.constant 1 : i32
      %dma_start3A_724 = arith.constant 1 : i32
      %dma_start3A_725 = arith.constant 0 : i32
      %dma_start3A_726 = arith.constant 0 : i32
      %dma_start3A_727 = tpu.memref_slice %arg7[%dma_start3A_724, %dma_start3A_725, %dma_start3A_726] : memref<2x640x64xf32, #tpu.memory_space<vmem>> -> memref<1x640x64xf32, #tpu.memory_space<vmem>>
      %dma_start3A_728 = tpu.memref_squeeze %dma_start3A_727 : memref<1x640x64xf32, #tpu.memory_space<vmem>> -> memref<640x64xf32, #tpu.memory_space<vmem>>
      %dma_start3A_729 = arith.constant 384 : i32
      %dma_start3A_730 = arith.constant 0 : i32
      %dma_start3A_731 = tpu.memref_slice %dma_start3A_728[%dma_start3A_729, %dma_start3A_730] : memref<640x64xf32, #tpu.memory_space<vmem>> -> memref<128x64xf32, #tpu.memory_space<vmem>>
      %dma_start3A_732 = arith.constant 0 : i32
      %dma_start3A_733 = tpu.memref_slice %arg6[%dma_start3A_723, %dma_start3A_732] : memref<2x640xi32, #tpu.memory_space<vmem>> -> memref<1x640xi32, #tpu.memory_space<vmem>>
      %dma_start3A_734 = tpu.memref_squeeze %dma_start3A_733 : memref<1x640xi32, #tpu.memory_space<vmem>> -> memref<640xi32, #tpu.memory_space<vmem>>
      %dma_start3A_735 = arith.constant 384 : i32
      %dma_start3A_736 = tpu.memref_slice %dma_start3A_734[%dma_start3A_735] : memref<640xi32, #tpu.memory_space<vmem>> -> memref<128xi32, #tpu.memory_space<vmem>>
      %dma_start3A_737 = arith.constant 0 : i32
      %dma_start3A_738 = arith.constant 0 : i32
      %dma_start3A_739 = tpu.memref_slice %arg3[%dma_start3A_737, %dma_start3A_738] : memref<100000x64xf32, #tpu.memory_space<hbm>> -> memref<100000x64xf32, #tpu.memory_space<hbm>>
      tpu.enqueue_indirect_dma source(%dma_start3A_739 : memref<100000x64xf32, #tpu.memory_space<hbm>>) target(%dma_start3A_731 : memref<128x64xf32, #tpu.memory_space<vmem>>) offsets(%dma_start3A_736 : memref<128xi32, #tpu.memory_space<vmem>>) semaphore(%arg10 : memref<!tpu.dma_semaphore, #tpu.memory_space<semaphore_mem>>) {add = true}
      %dma_start3A_740 = arith.constant 1 : i32
      %dma_start3A_741 = arith.constant 1 : i32
      %dma_start3A_742 = arith.constant 0 : i32
      %dma_start3A_743 = arith.constant 0 : i32
      %dma_start3A_744 = tpu.memref_slice %arg7[%dma_start3A_741, %dma_start3A_742, %dma_start3A_743] : memref<2x640x64xf32, #tpu.memory_space<vmem>> -> memref<1x640x64xf32, #tpu.memory_space<vmem>>
      %dma_start3A_745 = tpu.memref_squeeze %dma_start3A_744 : memref<1x640x64xf32, #tpu.memory_space<vmem>> -> memref<640x64xf32, #tpu.memory_space<vmem>>
      %dma_start3A_746 = arith.constant 512 : i32
      %dma_start3A_747 = arith.constant 0 : i32
      %dma_start3A_748 = tpu.memref_slice %dma_start3A_745[%dma_start3A_746, %dma_start3A_747] : memref<640x64xf32, #tpu.memory_space<vmem>> -> memref<128x64xf32, #tpu.memory_space<vmem>>
      %dma_start3A_749 = arith.constant 0 : i32
      %dma_start3A_750 = tpu.memref_slice %arg6[%dma_start3A_740, %dma_start3A_749] : memref<2x640xi32, #tpu.memory_space<vmem>> -> memref<1x640xi32, #tpu.memory_space<vmem>>
      %dma_start3A_751 = tpu.memref_squeeze %dma_start3A_750 : memref<1x640xi32, #tpu.memory_space<vmem>> -> memref<640xi32, #tpu.memory_space<vmem>>
      %dma_start3A_752 = arith.constant 512 : i32
      %dma_start3A_753 = tpu.memref_slice %dma_start3A_751[%dma_start3A_752] : memref<640xi32, #tpu.memory_space<vmem>> -> memref<128xi32, #tpu.memory_space<vmem>>
      %dma_start3A_754 = arith.constant 0 : i32
      %dma_start3A_755 = arith.constant 0 : i32
      %dma_start3A_756 = tpu.memref_slice %arg3[%dma_start3A_754, %dma_start3A_755] : memref<100000x64xf32, #tpu.memory_space<hbm>> -> memref<100000x64xf32, #tpu.memory_space<hbm>>
      tpu.enqueue_indirect_dma source(%dma_start3A_756 : memref<100000x64xf32, #tpu.memory_space<hbm>>) target(%dma_start3A_748 : memref<128x64xf32, #tpu.memory_space<vmem>>) offsets(%dma_start3A_753 : memref<128xi32, #tpu.memory_space<vmem>>) semaphore(%arg10 : memref<!tpu.dma_semaphore, #tpu.memory_space<semaphore_mem>>) {add = true}
      %dma_wait3A_757 = arith.constant 0 : i32
      %dma_wait3A_758 = arith.constant 0 : i32
      %dma_wait3A_759 = arith.constant 0 : i32
      %dma_wait3A_760 = arith.constant 0 : i32
      %dma_wait3A_761 = tpu.memref_slice %arg7[%dma_wait3A_758, %dma_wait3A_759, %dma_wait3A_760] : memref<2x640x64xf32, #tpu.memory_space<vmem>> -> memref<1x640x64xf32, #tpu.memory_space<vmem>>
      %dma_wait3A_762 = tpu.memref_squeeze %dma_wait3A_761 : memref<1x640x64xf32, #tpu.memory_space<vmem>> -> memref<640x64xf32, #tpu.memory_space<vmem>>
      %dma_wait3A_763 = arith.constant 0 : i32
      %dma_wait3A_764 = arith.constant 0 : i32
      %dma_wait3A_765 = tpu.memref_slice %dma_wait3A_762[%dma_wait3A_763, %dma_wait3A_764] : memref<640x64xf32, #tpu.memory_space<vmem>> -> memref<128x64xf32, #tpu.memory_space<vmem>>
      %dma_wait3A_766 = arith.constant 0 : i32
      %dma_wait3A_767 = tpu.memref_slice %arg6[%dma_wait3A_757, %dma_wait3A_766] : memref<2x640xi32, #tpu.memory_space<vmem>> -> memref<1x640xi32, #tpu.memory_space<vmem>>
      %dma_wait3A_768 = tpu.memref_squeeze %dma_wait3A_767 : memref<1x640xi32, #tpu.memory_space<vmem>> -> memref<640xi32, #tpu.memory_space<vmem>>
      %dma_wait3A_769 = arith.constant 0 : i32
      %dma_wait3A_770 = tpu.memref_slice %dma_wait3A_768[%dma_wait3A_769] : memref<640xi32, #tpu.memory_space<vmem>> -> memref<128xi32, #tpu.memory_space<vmem>>
      %dma_wait3A_771 = arith.constant 0 : i32
      %dma_wait3A_772 = arith.constant 0 : i32
      %dma_wait3A_773 = tpu.memref_slice %arg3[%dma_wait3A_771, %dma_wait3A_772] : memref<100000x64xf32, #tpu.memory_space<hbm>> -> memref<100000x64xf32, #tpu.memory_space<hbm>>
      tpu.wait_indirect_dma semaphore(%arg9 : memref<!tpu.dma_semaphore, #tpu.memory_space<semaphore_mem>>) src(%dma_wait3A_773 : memref<100000x64xf32, #tpu.memory_space<hbm>>) dst(%dma_wait3A_765 : memref<128x64xf32, #tpu.memory_space<vmem>>)
      %dma_wait3A_774 = arith.constant 0 : i32
      %dma_wait3A_775 = arith.constant 0 : i32
      %dma_wait3A_776 = arith.constant 0 : i32
      %dma_wait3A_777 = arith.constant 0 : i32
      %dma_wait3A_778 = tpu.memref_slice %arg7[%dma_wait3A_775, %dma_wait3A_776, %dma_wait3A_777] : memref<2x640x64xf32, #tpu.memory_space<vmem>> -> memref<1x640x64xf32, #tpu.memory_space<vmem>>
      %dma_wait3A_779 = tpu.memref_squeeze %dma_wait3A_778 : memref<1x640x64xf32, #tpu.memory_space<vmem>> -> memref<640x64xf32, #tpu.memory_space<vmem>>
      %dma_wait3A_780 = arith.constant 128 : i32
      %dma_wait3A_781 = arith.constant 0 : i32
      %dma_wait3A_782 = tpu.memref_slice %dma_wait3A_779[%dma_wait3A_780, %dma_wait3A_781] : memref<640x64xf32, #tpu.memory_space<vmem>> -> memref<128x64xf32, #tpu.memory_space<vmem>>
      %dma_wait3A_783 = arith.constant 0 : i32
      %dma_wait3A_784 = tpu.memref_slice %arg6[%dma_wait3A_774, %dma_wait3A_783] : memref<2x640xi32, #tpu.memory_space<vmem>> -> memref<1x640xi32, #tpu.memory_space<vmem>>
      %dma_wait3A_785 = tpu.memref_squeeze %dma_wait3A_784 : memref<1x640xi32, #tpu.memory_space<vmem>> -> memref<640xi32, #tpu.memory_space<vmem>>
      %dma_wait3A_786 = arith.constant 128 : i32
      %dma_wait3A_787 = tpu.memref_slice %dma_wait3A_785[%dma_wait3A_786] : memref<640xi32, #tpu.memory_space<vmem>> -> memref<128xi32, #tpu.memory_space<vmem>>
      %dma_wait3A_788 = arith.constant 0 : i32
      %dma_wait3A_789 = arith.constant 0 : i32
      %dma_wait3A_790 = tpu.memref_slice %arg3[%dma_wait3A_788, %dma_wait3A_789] : memref<100000x64xf32, #tpu.memory_space<hbm>> -> memref<100000x64xf32, #tpu.memory_space<hbm>>
      tpu.wait_indirect_dma semaphore(%arg9 : memref<!tpu.dma_semaphore, #tpu.memory_space<semaphore_mem>>) src(%dma_wait3A_790 : memref<100000x64xf32, #tpu.memory_space<hbm>>) dst(%dma_wait3A_782 : memref<128x64xf32, #tpu.memory_space<vmem>>)
      %dma_wait3A_791 = arith.constant 0 : i32
      %dma_wait3A_792 = arith.constant 0 : i32
      %dma_wait3A_793 = arith.constant 0 : i32
      %dma_wait3A_794 = arith.constant 0 : i32
      %dma_wait3A_795 = tpu.memref_slice %arg7[%dma_wait3A_792, %dma_wait3A_793, %dma_wait3A_794] : memref<2x640x64xf32, #tpu.memory_space<vmem>> -> memref<1x640x64xf32, #tpu.memory_space<vmem>>
      %dma_wait3A_796 = tpu.memref_squeeze %dma_wait3A_795 : memref<1x640x64xf32, #tpu.memory_space<vmem>> -> memref<640x64xf32, #tpu.memory_space<vmem>>
      %dma_wait3A_797 = arith.constant 256 : i32
      %dma_wait3A_798 = arith.constant 0 : i32
      %dma_wait3A_799 = tpu.memref_slice %dma_wait3A_796[%dma_wait3A_797, %dma_wait3A_798] : memref<640x64xf32, #tpu.memory_space<vmem>> -> memref<128x64xf32, #tpu.memory_space<vmem>>
      %dma_wait3A_800 = arith.constant 0 : i32
      %dma_wait3A_801 = tpu.memref_slice %arg6[%dma_wait3A_791, %dma_wait3A_800] : memref<2x640xi32, #tpu.memory_space<vmem>> -> memref<1x640xi32, #tpu.memory_space<vmem>>
      %dma_wait3A_802 = tpu.memref_squeeze %dma_wait3A_801 : memref<1x640xi32, #tpu.memory_space<vmem>> -> memref<640xi32, #tpu.memory_space<vmem>>
      %dma_wait3A_803 = arith.constant 256 : i32
      %dma_wait3A_804 = tpu.memref_slice %dma_wait3A_802[%dma_wait3A_803] : memref<640xi32, #tpu.memory_space<vmem>> -> memref<128xi32, #tpu.memory_space<vmem>>
      %dma_wait3A_805 = arith.constant 0 : i32
      %dma_wait3A_806 = arith.constant 0 : i32
      %dma_wait3A_807 = tpu.memref_slice %arg3[%dma_wait3A_805, %dma_wait3A_806] : memref<100000x64xf32, #tpu.memory_space<hbm>> -> memref<100000x64xf32, #tpu.memory_space<hbm>>
      tpu.wait_indirect_dma semaphore(%arg9 : memref<!tpu.dma_semaphore, #tpu.memory_space<semaphore_mem>>) src(%dma_wait3A_807 : memref<100000x64xf32, #tpu.memory_space<hbm>>) dst(%dma_wait3A_799 : memref<128x64xf32, #tpu.memory_space<vmem>>)
      %dma_wait3A_808 = arith.constant 0 : i32
      %dma_wait3A_809 = arith.constant 0 : i32
      %dma_wait3A_810 = arith.constant 0 : i32
      %dma_wait3A_811 = arith.constant 0 : i32
      %dma_wait3A_812 = tpu.memref_slice %arg7[%dma_wait3A_809, %dma_wait3A_810, %dma_wait3A_811] : memref<2x640x64xf32, #tpu.memory_space<vmem>> -> memref<1x640x64xf32, #tpu.memory_space<vmem>>
      %dma_wait3A_813 = tpu.memref_squeeze %dma_wait3A_812 : memref<1x640x64xf32, #tpu.memory_space<vmem>> -> memref<640x64xf32, #tpu.memory_space<vmem>>
      %dma_wait3A_814 = arith.constant 384 : i32
      %dma_wait3A_815 = arith.constant 0 : i32
      %dma_wait3A_816 = tpu.memref_slice %dma_wait3A_813[%dma_wait3A_814, %dma_wait3A_815] : memref<640x64xf32, #tpu.memory_space<vmem>> -> memref<128x64xf32, #tpu.memory_space<vmem>>
      %dma_wait3A_817 = arith.constant 0 : i32
      %dma_wait3A_818 = tpu.memref_slice %arg6[%dma_wait3A_808, %dma_wait3A_817] : memref<2x640xi32, #tpu.memory_space<vmem>> -> memref<1x640xi32, #tpu.memory_space<vmem>>
      %dma_wait3A_819 = tpu.memref_squeeze %dma_wait3A_818 : memref<1x640xi32, #tpu.memory_space<vmem>> -> memref<640xi32, #tpu.memory_space<vmem>>
      %dma_wait3A_820 = arith.constant 384 : i32
      %dma_wait3A_821 = tpu.memref_slice %dma_wait3A_819[%dma_wait3A_820] : memref<640xi32, #tpu.memory_space<vmem>> -> memref<128xi32, #tpu.memory_space<vmem>>
      %dma_wait3A_822 = arith.constant 0 : i32
      %dma_wait3A_823 = arith.constant 0 : i32
      %dma_wait3A_824 = tpu.memref_slice %arg3[%dma_wait3A_822, %dma_wait3A_823] : memref<100000x64xf32, #tpu.memory_space<hbm>> -> memref<100000x64xf32, #tpu.memory_space<hbm>>
      tpu.wait_indirect_dma semaphore(%arg9 : memref<!tpu.dma_semaphore, #tpu.memory_space<semaphore_mem>>) src(%dma_wait3A_824 : memref<100000x64xf32, #tpu.memory_space<hbm>>) dst(%dma_wait3A_816 : memref<128x64xf32, #tpu.memory_space<vmem>>)
      %dma_wait3A_825 = arith.constant 0 : i32
      %dma_wait3A_826 = arith.constant 0 : i32
      %dma_wait3A_827 = arith.constant 0 : i32
      %dma_wait3A_828 = arith.constant 0 : i32
      %dma_wait3A_829 = tpu.memref_slice %arg7[%dma_wait3A_826, %dma_wait3A_827, %dma_wait3A_828] : memref<2x640x64xf32, #tpu.memory_space<vmem>> -> memref<1x640x64xf32, #tpu.memory_space<vmem>>
      %dma_wait3A_830 = tpu.memref_squeeze %dma_wait3A_829 : memref<1x640x64xf32, #tpu.memory_space<vmem>> -> memref<640x64xf32, #tpu.memory_space<vmem>>
      %dma_wait3A_831 = arith.constant 512 : i32
      %dma_wait3A_832 = arith.constant 0 : i32
      %dma_wait3A_833 = tpu.memref_slice %dma_wait3A_830[%dma_wait3A_831, %dma_wait3A_832] : memref<640x64xf32, #tpu.memory_space<vmem>> -> memref<128x64xf32, #tpu.memory_space<vmem>>
      %dma_wait3A_834 = arith.constant 0 : i32
      %dma_wait3A_835 = tpu.memref_slice %arg6[%dma_wait3A_825, %dma_wait3A_834] : memref<2x640xi32, #tpu.memory_space<vmem>> -> memref<1x640xi32, #tpu.memory_space<vmem>>
      %dma_wait3A_836 = tpu.memref_squeeze %dma_wait3A_835 : memref<1x640xi32, #tpu.memory_space<vmem>> -> memref<640xi32, #tpu.memory_space<vmem>>
      %dma_wait3A_837 = arith.constant 512 : i32
      %dma_wait3A_838 = tpu.memref_slice %dma_wait3A_836[%dma_wait3A_837] : memref<640xi32, #tpu.memory_space<vmem>> -> memref<128xi32, #tpu.memory_space<vmem>>
      %dma_wait3A_839 = arith.constant 0 : i32
      %dma_wait3A_840 = arith.constant 0 : i32
      %dma_wait3A_841 = tpu.memref_slice %arg3[%dma_wait3A_839, %dma_wait3A_840] : memref<100000x64xf32, #tpu.memory_space<hbm>> -> memref<100000x64xf32, #tpu.memory_space<hbm>>
      tpu.wait_indirect_dma semaphore(%arg9 : memref<!tpu.dma_semaphore, #tpu.memory_space<semaphore_mem>>) src(%dma_wait3A_841 : memref<100000x64xf32, #tpu.memory_space<hbm>>) dst(%dma_wait3A_833 : memref<128x64xf32, #tpu.memory_space<vmem>>)
      %mul3A_842 = arith.constant 640 : i32
      %mul3A_843 = arith.muli %add3A_642, %mul3A_842 : i32
      %add3A_844 = arith.addi %mul3A_2, %mul3A_843 : i32
      %dma_start3A_845 = arith.constant 0 : i32
      %dma_start3A_846 = arith.constant 0 : i32
      %dma_start3A_847 = arith.constant 0 : i32
      %dma_start3A_848 = tpu.memref_slice %arg7[%dma_start3A_845, %dma_start3A_846, %dma_start3A_847] : memref<2x640x64xf32, #tpu.memory_space<vmem>> -> memref<1x640x64xf32, #tpu.memory_space<vmem>>
      %dma_start3A_849 = tpu.memref_squeeze %dma_start3A_848 : memref<1x640x64xf32, #tpu.memory_space<vmem>> -> memref<640x64xf32, #tpu.memory_space<vmem>>
      %dma_start3A_850 = arith.constant 0 : i32
      %dma_start3A_851 = tpu.memref_slice %arg5[%add3A_844, %dma_start3A_850] : memref<819200x64xf32, #tpu.memory_space<hbm>> -> memref<640x64xf32, #tpu.memory_space<hbm>>
      %dma_start3A_852 = arith.constant 0 : i32
      %dma_start3A_853 = tpu.memref_slice %arg5[%add3A_844, %dma_start3A_852] : memref<819200x64xf32, #tpu.memory_space<hbm>> -> memref<640x64xf32, #tpu.memory_space<hbm>>
      %dma_start3A_854 = arith.constant 0 : i32
      %dma_start3A_855 = arith.constant 0 : i32
      %dma_start3A_856 = tpu.memref_slice %arg7[%dma_start3A_845, %dma_start3A_854, %dma_start3A_855] : memref<2x640x64xf32, #tpu.memory_space<vmem>> -> memref<1x640x64xf32, #tpu.memory_space<vmem>>
      %dma_start3A_857 = tpu.memref_squeeze %dma_start3A_856 : memref<1x640x64xf32, #tpu.memory_space<vmem>> -> memref<640x64xf32, #tpu.memory_space<vmem>>
      tpu.enqueue_dma source(%dma_start3A_857 : memref<640x64xf32, #tpu.memory_space<vmem>>) target(%dma_start3A_853 : memref<640x64xf32, #tpu.memory_space<hbm>>) target_semaphore(%arg11 : memref<!tpu.dma_semaphore, #tpu.memory_space<semaphore_mem>>)
    }
    %scan3A_289 = arith.constant 19 : i32
    %add3A_290 = arith.constant 24320 : i32
    %add3A_291 = arith.addi %mul3A_2, %add3A_290 : i32
    %dma_wait3A_292 = arith.constant 0 : i32
    %dma_wait3A_293 = arith.constant 0 : i32
    %dma_wait3A_294 = arith.constant 0 : i32
    %dma_wait3A_295 = tpu.memref_slice %arg7[%dma_wait3A_292, %dma_wait3A_293, %dma_wait3A_294] : memref<2x640x64xf32, #tpu.memory_space<vmem>> -> memref<1x640x64xf32, #tpu.memory_space<vmem>>
    %dma_wait3A_296 = tpu.memref_squeeze %dma_wait3A_295 : memref<1x640x64xf32, #tpu.memory_space<vmem>> -> memref<640x64xf32, #tpu.memory_space<vmem>>
    %dma_wait3A_297 = arith.constant 0 : i32
    %dma_wait3A_298 = tpu.memref_slice %arg5[%add3A_291, %dma_wait3A_297] : memref<819200x64xf32, #tpu.memory_space<hbm>> -> memref<640x64xf32, #tpu.memory_space<hbm>>
    %dma_wait3A_299 = arith.constant 0 : i32
    %dma_wait3A_300 = tpu.memref_slice %arg5[%add3A_291, %dma_wait3A_299] : memref<819200x64xf32, #tpu.memory_space<hbm>> -> memref<640x64xf32, #tpu.memory_space<hbm>>
    %dma_wait3A_301 = arith.constant 0 : i32
    %dma_wait3A_302 = arith.constant 0 : i32
    %dma_wait3A_303 = tpu.memref_slice %arg7[%dma_wait3A_292, %dma_wait3A_301, %dma_wait3A_302] : memref<2x640x64xf32, #tpu.memory_space<vmem>> -> memref<1x640x64xf32, #tpu.memory_space<vmem>>
    %dma_wait3A_304 = tpu.memref_squeeze %dma_wait3A_303 : memref<1x640x64xf32, #tpu.memory_space<vmem>> -> memref<640x64xf32, #tpu.memory_space<vmem>>
    tpu.wait_dma2 semaphore(%arg11 : memref<!tpu.dma_semaphore, #tpu.memory_space<semaphore_mem>>) src(%dma_wait3A_304 : memref<640x64xf32, #tpu.memory_space<vmem>>) dst(%dma_wait3A_300 : memref<640x64xf32, #tpu.memory_space<hbm>>)
    %dma_wait3A_305 = arith.constant 1 : i32
    %dma_wait3A_306 = arith.constant 1 : i32
    %dma_wait3A_307 = arith.constant 0 : i32
    %dma_wait3A_308 = arith.constant 0 : i32
    %dma_wait3A_309 = tpu.memref_slice %arg7[%dma_wait3A_306, %dma_wait3A_307, %dma_wait3A_308] : memref<2x640x64xf32, #tpu.memory_space<vmem>> -> memref<1x640x64xf32, #tpu.memory_space<vmem>>
    %dma_wait3A_310 = tpu.memref_squeeze %dma_wait3A_309 : memref<1x640x64xf32, #tpu.memory_space<vmem>> -> memref<640x64xf32, #tpu.memory_space<vmem>>
    %dma_wait3A_311 = arith.constant 0 : i32
    %dma_wait3A_312 = arith.constant 0 : i32
    %dma_wait3A_313 = tpu.memref_slice %dma_wait3A_310[%dma_wait3A_311, %dma_wait3A_312] : memref<640x64xf32, #tpu.memory_space<vmem>> -> memref<128x64xf32, #tpu.memory_space<vmem>>
    %dma_wait3A_314 = arith.constant 0 : i32
    %dma_wait3A_315 = tpu.memref_slice %arg6[%dma_wait3A_305, %dma_wait3A_314] : memref<2x640xi32, #tpu.memory_space<vmem>> -> memref<1x640xi32, #tpu.memory_space<vmem>>
    %dma_wait3A_316 = tpu.memref_squeeze %dma_wait3A_315 : memref<1x640xi32, #tpu.memory_space<vmem>> -> memref<640xi32, #tpu.memory_space<vmem>>
    %dma_wait3A_317 = arith.constant 0 : i32
    %dma_wait3A_318 = tpu.memref_slice %dma_wait3A_316[%dma_wait3A_317] : memref<640xi32, #tpu.memory_space<vmem>> -> memref<128xi32, #tpu.memory_space<vmem>>
    %dma_wait3A_319 = arith.constant 0 : i32
    %dma_wait3A_320 = arith.constant 0 : i32
    %dma_wait3A_321 = tpu.memref_slice %arg3[%dma_wait3A_319, %dma_wait3A_320] : memref<100000x64xf32, #tpu.memory_space<hbm>> -> memref<100000x64xf32, #tpu.memory_space<hbm>>
    tpu.wait_indirect_dma semaphore(%arg10 : memref<!tpu.dma_semaphore, #tpu.memory_space<semaphore_mem>>) src(%dma_wait3A_321 : memref<100000x64xf32, #tpu.memory_space<hbm>>) dst(%dma_wait3A_313 : memref<128x64xf32, #tpu.memory_space<vmem>>)
    %dma_wait3A_322 = arith.constant 1 : i32
    %dma_wait3A_323 = arith.constant 1 : i32
    %dma_wait3A_324 = arith.constant 0 : i32
    %dma_wait3A_325 = arith.constant 0 : i32
    %dma_wait3A_326 = tpu.memref_slice %arg7[%dma_wait3A_323, %dma_wait3A_324, %dma_wait3A_325] : memref<2x640x64xf32, #tpu.memory_space<vmem>> -> memref<1x640x64xf32, #tpu.memory_space<vmem>>
    %dma_wait3A_327 = tpu.memref_squeeze %dma_wait3A_326 : memref<1x640x64xf32, #tpu.memory_space<vmem>> -> memref<640x64xf32, #tpu.memory_space<vmem>>
    %dma_wait3A_328 = arith.constant 128 : i32
    %dma_wait3A_329 = arith.constant 0 : i32
    %dma_wait3A_330 = tpu.memref_slice %dma_wait3A_327[%dma_wait3A_328, %dma_wait3A_329] : memref<640x64xf32, #tpu.memory_space<vmem>> -> memref<128x64xf32, #tpu.memory_space<vmem>>
    %dma_wait3A_331 = arith.constant 0 : i32
    %dma_wait3A_332 = tpu.memref_slice %arg6[%dma_wait3A_322, %dma_wait3A_331] : memref<2x640xi32, #tpu.memory_space<vmem>> -> memref<1x640xi32, #tpu.memory_space<vmem>>
    %dma_wait3A_333 = tpu.memref_squeeze %dma_wait3A_332 : memref<1x640xi32, #tpu.memory_space<vmem>> -> memref<640xi32, #tpu.memory_space<vmem>>
    %dma_wait3A_334 = arith.constant 128 : i32
    %dma_wait3A_335 = tpu.memref_slice %dma_wait3A_333[%dma_wait3A_334] : memref<640xi32, #tpu.memory_space<vmem>> -> memref<128xi32, #tpu.memory_space<vmem>>
    %dma_wait3A_336 = arith.constant 0 : i32
    %dma_wait3A_337 = arith.constant 0 : i32
    %dma_wait3A_338 = tpu.memref_slice %arg3[%dma_wait3A_336, %dma_wait3A_337] : memref<100000x64xf32, #tpu.memory_space<hbm>> -> memref<100000x64xf32, #tpu.memory_space<hbm>>
    tpu.wait_indirect_dma semaphore(%arg10 : memref<!tpu.dma_semaphore, #tpu.memory_space<semaphore_mem>>) src(%dma_wait3A_338 : memref<100000x64xf32, #tpu.memory_space<hbm>>) dst(%dma_wait3A_330 : memref<128x64xf32, #tpu.memory_space<vmem>>)
    %dma_wait3A_339 = arith.constant 1 : i32
    %dma_wait3A_340 = arith.constant 1 : i32
    %dma_wait3A_341 = arith.constant 0 : i32
    %dma_wait3A_342 = arith.constant 0 : i32
    %dma_wait3A_343 = tpu.memref_slice %arg7[%dma_wait3A_340, %dma_wait3A_341, %dma_wait3A_342] : memref<2x640x64xf32, #tpu.memory_space<vmem>> -> memref<1x640x64xf32, #tpu.memory_space<vmem>>
    %dma_wait3A_344 = tpu.memref_squeeze %dma_wait3A_343 : memref<1x640x64xf32, #tpu.memory_space<vmem>> -> memref<640x64xf32, #tpu.memory_space<vmem>>
    %dma_wait3A_345 = arith.constant 256 : i32
    %dma_wait3A_346 = arith.constant 0 : i32
    %dma_wait3A_347 = tpu.memref_slice %dma_wait3A_344[%dma_wait3A_345, %dma_wait3A_346] : memref<640x64xf32, #tpu.memory_space<vmem>> -> memref<128x64xf32, #tpu.memory_space<vmem>>
    %dma_wait3A_348 = arith.constant 0 : i32
    %dma_wait3A_349 = tpu.memref_slice %arg6[%dma_wait3A_339, %dma_wait3A_348] : memref<2x640xi32, #tpu.memory_space<vmem>> -> memref<1x640xi32, #tpu.memory_space<vmem>>
    %dma_wait3A_350 = tpu.memref_squeeze %dma_wait3A_349 : memref<1x640xi32, #tpu.memory_space<vmem>> -> memref<640xi32, #tpu.memory_space<vmem>>
    %dma_wait3A_351 = arith.constant 256 : i32
    %dma_wait3A_352 = tpu.memref_slice %dma_wait3A_350[%dma_wait3A_351] : memref<640xi32, #tpu.memory_space<vmem>> -> memref<128xi32, #tpu.memory_space<vmem>>
    %dma_wait3A_353 = arith.constant 0 : i32
    %dma_wait3A_354 = arith.constant 0 : i32
    %dma_wait3A_355 = tpu.memref_slice %arg3[%dma_wait3A_353, %dma_wait3A_354] : memref<100000x64xf32, #tpu.memory_space<hbm>> -> memref<100000x64xf32, #tpu.memory_space<hbm>>
    tpu.wait_indirect_dma semaphore(%arg10 : memref<!tpu.dma_semaphore, #tpu.memory_space<semaphore_mem>>) src(%dma_wait3A_355 : memref<100000x64xf32, #tpu.memory_space<hbm>>) dst(%dma_wait3A_347 : memref<128x64xf32, #tpu.memory_space<vmem>>)
    %dma_wait3A_356 = arith.constant 1 : i32
    %dma_wait3A_357 = arith.constant 1 : i32
    %dma_wait3A_358 = arith.constant 0 : i32
    %dma_wait3A_359 = arith.constant 0 : i32
    %dma_wait3A_360 = tpu.memref_slice %arg7[%dma_wait3A_357, %dma_wait3A_358, %dma_wait3A_359] : memref<2x640x64xf32, #tpu.memory_space<vmem>> -> memref<1x640x64xf32, #tpu.memory_space<vmem>>
    %dma_wait3A_361 = tpu.memref_squeeze %dma_wait3A_360 : memref<1x640x64xf32, #tpu.memory_space<vmem>> -> memref<640x64xf32, #tpu.memory_space<vmem>>
    %dma_wait3A_362 = arith.constant 384 : i32
    %dma_wait3A_363 = arith.constant 0 : i32
    %dma_wait3A_364 = tpu.memref_slice %dma_wait3A_361[%dma_wait3A_362, %dma_wait3A_363] : memref<640x64xf32, #tpu.memory_space<vmem>> -> memref<128x64xf32, #tpu.memory_space<vmem>>
    %dma_wait3A_365 = arith.constant 0 : i32
    %dma_wait3A_366 = tpu.memref_slice %arg6[%dma_wait3A_356, %dma_wait3A_365] : memref<2x640xi32, #tpu.memory_space<vmem>> -> memref<1x640xi32, #tpu.memory_space<vmem>>
    %dma_wait3A_367 = tpu.memref_squeeze %dma_wait3A_366 : memref<1x640xi32, #tpu.memory_space<vmem>> -> memref<640xi32, #tpu.memory_space<vmem>>
    %dma_wait3A_368 = arith.constant 384 : i32
    %dma_wait3A_369 = tpu.memref_slice %dma_wait3A_367[%dma_wait3A_368] : memref<640xi32, #tpu.memory_space<vmem>> -> memref<128xi32, #tpu.memory_space<vmem>>
    %dma_wait3A_370 = arith.constant 0 : i32
    %dma_wait3A_371 = arith.constant 0 : i32
    %dma_wait3A_372 = tpu.memref_slice %arg3[%dma_wait3A_370, %dma_wait3A_371] : memref<100000x64xf32, #tpu.memory_space<hbm>> -> memref<100000x64xf32, #tpu.memory_space<hbm>>
    tpu.wait_indirect_dma semaphore(%arg10 : memref<!tpu.dma_semaphore, #tpu.memory_space<semaphore_mem>>) src(%dma_wait3A_372 : memref<100000x64xf32, #tpu.memory_space<hbm>>) dst(%dma_wait3A_364 : memref<128x64xf32, #tpu.memory_space<vmem>>)
    %dma_wait3A_373 = arith.constant 1 : i32
    %dma_wait3A_374 = arith.constant 1 : i32
    %dma_wait3A_375 = arith.constant 0 : i32
    %dma_wait3A_376 = arith.constant 0 : i32
    %dma_wait3A_377 = tpu.memref_slice %arg7[%dma_wait3A_374, %dma_wait3A_375, %dma_wait3A_376] : memref<2x640x64xf32, #tpu.memory_space<vmem>> -> memref<1x640x64xf32, #tpu.memory_space<vmem>>
    %dma_wait3A_378 = tpu.memref_squeeze %dma_wait3A_377 : memref<1x640x64xf32, #tpu.memory_space<vmem>> -> memref<640x64xf32, #tpu.memory_space<vmem>>
    %dma_wait3A_379 = arith.constant 512 : i32
    %dma_wait3A_380 = arith.constant 0 : i32
    %dma_wait3A_381 = tpu.memref_slice %dma_wait3A_378[%dma_wait3A_379, %dma_wait3A_380] : memref<640x64xf32, #tpu.memory_space<vmem>> -> memref<128x64xf32, #tpu.memory_space<vmem>>
    %dma_wait3A_382 = arith.constant 0 : i32
    %dma_wait3A_383 = tpu.memref_slice %arg6[%dma_wait3A_373, %dma_wait3A_382] : memref<2x640xi32, #tpu.memory_space<vmem>> -> memref<1x640xi32, #tpu.memory_space<vmem>>
    %dma_wait3A_384 = tpu.memref_squeeze %dma_wait3A_383 : memref<1x640xi32, #tpu.memory_space<vmem>> -> memref<640xi32, #tpu.memory_space<vmem>>
    %dma_wait3A_385 = arith.constant 512 : i32
    %dma_wait3A_386 = tpu.memref_slice %dma_wait3A_384[%dma_wait3A_385] : memref<640xi32, #tpu.memory_space<vmem>> -> memref<128xi32, #tpu.memory_space<vmem>>
    %dma_wait3A_387 = arith.constant 0 : i32
    %dma_wait3A_388 = arith.constant 0 : i32
    %dma_wait3A_389 = tpu.memref_slice %arg3[%dma_wait3A_387, %dma_wait3A_388] : memref<100000x64xf32, #tpu.memory_space<hbm>> -> memref<100000x64xf32, #tpu.memory_space<hbm>>
    tpu.wait_indirect_dma semaphore(%arg10 : memref<!tpu.dma_semaphore, #tpu.memory_space<semaphore_mem>>) src(%dma_wait3A_389 : memref<100000x64xf32, #tpu.memory_space<hbm>>) dst(%dma_wait3A_381 : memref<128x64xf32, #tpu.memory_space<vmem>>)
    %add3A_390 = arith.constant 24960 : i32
    %add3A_391 = arith.addi %mul3A_2, %add3A_390 : i32
    %dma_start3A_392 = arith.constant 1 : i32
    %dma_start3A_393 = arith.constant 0 : i32
    %dma_start3A_394 = arith.constant 0 : i32
    %dma_start3A_395 = tpu.memref_slice %arg7[%dma_start3A_392, %dma_start3A_393, %dma_start3A_394] : memref<2x640x64xf32, #tpu.memory_space<vmem>> -> memref<1x640x64xf32, #tpu.memory_space<vmem>>
    %dma_start3A_396 = tpu.memref_squeeze %dma_start3A_395 : memref<1x640x64xf32, #tpu.memory_space<vmem>> -> memref<640x64xf32, #tpu.memory_space<vmem>>
    %dma_start3A_397 = arith.constant 0 : i32
    %dma_start3A_398 = tpu.memref_slice %arg5[%add3A_391, %dma_start3A_397] : memref<819200x64xf32, #tpu.memory_space<hbm>> -> memref<640x64xf32, #tpu.memory_space<hbm>>
    %dma_start3A_399 = arith.constant 0 : i32
    %dma_start3A_400 = tpu.memref_slice %arg5[%add3A_391, %dma_start3A_399] : memref<819200x64xf32, #tpu.memory_space<hbm>> -> memref<640x64xf32, #tpu.memory_space<hbm>>
    %dma_start3A_401 = arith.constant 0 : i32
    %dma_start3A_402 = arith.constant 0 : i32
    %dma_start3A_403 = tpu.memref_slice %arg7[%dma_start3A_392, %dma_start3A_401, %dma_start3A_402] : memref<2x640x64xf32, #tpu.memory_space<vmem>> -> memref<1x640x64xf32, #tpu.memory_space<vmem>>
    %dma_start3A_404 = tpu.memref_squeeze %dma_start3A_403 : memref<1x640x64xf32, #tpu.memory_space<vmem>> -> memref<640x64xf32, #tpu.memory_space<vmem>>
    tpu.enqueue_dma source(%dma_start3A_404 : memref<640x64xf32, #tpu.memory_space<vmem>>) target(%dma_start3A_400 : memref<640x64xf32, #tpu.memory_space<hbm>>) target_semaphore(%arg12 : memref<!tpu.dma_semaphore, #tpu.memory_space<semaphore_mem>>)
    %add3A_405 = arith.constant 24960 : i32
    %add3A_406 = arith.addi %mul3A_2, %add3A_405 : i32
    %dma_wait3A_407 = arith.constant 1 : i32
    %dma_wait3A_408 = arith.constant 0 : i32
    %dma_wait3A_409 = arith.constant 0 : i32
    %dma_wait3A_410 = tpu.memref_slice %arg7[%dma_wait3A_407, %dma_wait3A_408, %dma_wait3A_409] : memref<2x640x64xf32, #tpu.memory_space<vmem>> -> memref<1x640x64xf32, #tpu.memory_space<vmem>>
    %dma_wait3A_411 = tpu.memref_squeeze %dma_wait3A_410 : memref<1x640x64xf32, #tpu.memory_space<vmem>> -> memref<640x64xf32, #tpu.memory_space<vmem>>
    %dma_wait3A_412 = arith.constant 0 : i32
    %dma_wait3A_413 = tpu.memref_slice %arg5[%add3A_406, %dma_wait3A_412] : memref<819200x64xf32, #tpu.memory_space<hbm>> -> memref<640x64xf32, #tpu.memory_space<hbm>>
    %dma_wait3A_414 = arith.constant 0 : i32
    %dma_wait3A_415 = tpu.memref_slice %arg5[%add3A_406, %dma_wait3A_414] : memref<819200x64xf32, #tpu.memory_space<hbm>> -> memref<640x64xf32, #tpu.memory_space<hbm>>
    %dma_wait3A_416 = arith.constant 0 : i32
    %dma_wait3A_417 = arith.constant 0 : i32
    %dma_wait3A_418 = tpu.memref_slice %arg7[%dma_wait3A_407, %dma_wait3A_416, %dma_wait3A_417] : memref<2x640x64xf32, #tpu.memory_space<vmem>> -> memref<1x640x64xf32, #tpu.memory_space<vmem>>
    %dma_wait3A_419 = tpu.memref_squeeze %dma_wait3A_418 : memref<1x640x64xf32, #tpu.memory_space<vmem>> -> memref<640x64xf32, #tpu.memory_space<vmem>>
    tpu.wait_dma2 semaphore(%arg12 : memref<!tpu.dma_semaphore, #tpu.memory_space<semaphore_mem>>) src(%dma_wait3A_419 : memref<640x64xf32, #tpu.memory_space<vmem>>) dst(%dma_wait3A_415 : memref<640x64xf32, #tpu.memory_space<hbm>>)
    return
  }
}

</mosaic_0001>

<sc_bundles>
// kernel: kernel.3.cloned.1.call-start
scs
__scs_entry_jumppad:
0x0: {  	(pc) =	sbr.rel $0x88, $3  }
0x1: {  	(tag) =	ssettag $0x0;
	lr =	simm.s32 $0x1  }
0x2: {  	[smem:$0x3F9F] =	sst lr;
	_ =	strace $0xD0000000  }
0x3: {  	_ = 	snop  }
0x4: {  	_ = 	snop  }
0x5: {  	_ = 	snop  }
0x6: {  	_ = 	snop  }
0x7: {  	_ = 	snop  }
__scs_overlays_trampoline_lowered:
0x8: {  	[smem:$0x3FAE] =	sst s0  }
0x9: {  	[smem:$0x3FAF] =	sst s1  }
0xa: {  	[smem:$0x3FB0] =	sst s2  }
0xb: {  	[smem:$0x3FB1] =	sst s3  }
0xc: {  	[smem:$0x3FB2] =	sst s4  }
0xd: {  	[smem:$0x3FB3] =	sst s5  }
0xe: {  	[smem:$0x3FB4] =	sst s6  }
0xf: {  	[smem:$0x3FB5] =	sst s7  }
0x10: {  	[smem:$0x3FB6] =	sst s8  }
0x11: {  	[smem:$0x3FB7] =	sst s9;
	s0 =	simm.s32 @!p0 $0x0  }
0x12: {  	s1 =	sld [smem:$0x3F9D];
	s0 =	simm.s32 @p0 $0x1  }
0x13: {  	[smem:$0x3FB8] =	sst s0;
	s0 =	simm.s32 @!p1 $0x0  }
0x14: {  	s2 =	sld [smem:$0x3F9C];
	s0 =	simm.s32 @p1 $0x1  }
0x15: {  	[smem:$0x3FB9] =	sst s0;
	s0 =	simm.s32 @!p2 $0x0  }
0x16: {  	s3 =	sld [smem:$0x3FDB];
	s0 =	simm.s32 @p2 $0x1  }
0x17: {  	s4 =	simm.s32 $0x1BF5;
	[smem:$0x3FBB] =	sst s0  }
0x18: {  	s0 =	sld [smem:$0x3F9E];
	_ =	swait.ge [sflag:s4], $0x0  }
0x19: {  	s7 =	sld [smem:$0x3F9F]  }
0x1a: {  	s8 =	sadd.s32 $0xFFFFE003, lr  }
0x1b: {  	s9 =	sadd.s32 $0xFFFFFEF7, lr;
	s5 =	simm.s32 $0xFFFFFFFF;
	p2 =	slt.u32 s8, $0xFFFFF086  }
0x1c: {  	p1 =	slt.u32 s9, $0xF7A;
	s5 =	simm.s32 @!p2 $0x0  }
0x1d: {  	s5 =	simm.s32 @p1 $0x1;
	p0 =	seq.s32 s7, s2  }
0x1e: {  	s7 =	smul.u32 @!p0 $0xF7A, s2;
	p2 =	seq.s32 @!p0 s5, $0x0  }
0x1f: {  	s9 =	smul.u32 $0xF7A, s1;
	s8 =	simm.s32 @!p0 $0x1BF5;
	p2 =	por !p2, p0  }
0x20: {  	[sflag:s8] =	ssyncset.s32 @!p0 $0xFFFFF086;
	s6 =	sadd.s32 @!p0 s3, s7;
	s7 =	simm.s32 @!p0 $0x108  }
0x21: {  	s3 =	sadd.s32 s3, s9;
	s6 =	sadd.s32 @!p0 $0x88, s6;
	s7 =	simm.s32 @p2 $0x1082  }
0x22: {  	[simem:s7], [sflag:s8] =	dma.local @!p0 [hbm:s6], $0xF7A  }
0x23: {  	s9 =	sor.u32 $0xD0000000, s2;
	s6 =	simm.s32 $0x108;
	_ =	swait.ge @!p0 [sflag:s8], $0x0  }
0x24: {  	s3 =	sadd.s32 $0x88, s3;
	s6 =	simm.s32 @!p1 $0x1082;
	[sflag:s4] =	ssyncset.s32 $0xFFFFF086  }
0x25: {  	[simem:s6], [sflag:s4] =	dma.local [hbm:s3], $0xF7A  }
0x26: {  	[smem:$0x3F9F] =	sst s1;
	(tag) =	ssettag s2;
	_ =	strace s9  }
0x27: {  	s1 =	sld [smem:$0x3FAF]  }
0x28: {  	s2 =	sld [smem:$0x3FB0]  }
0x29: {  	s4 =	sld [smem:$0x3FB2]  }
0x2a: {  	p0 =	seq.s32 s5, $0x0;
	s5 =	sld [smem:$0x3FB3]  }
0x2b: {  	s6 =	sld [smem:$0x3FB4]  }
0x2c: {  	s7 =	sld [smem:$0x3FB5]  }
0x2d: {  	s3 =	simm.s32 $0x108;
	s8 =	sld [smem:$0x3FB6]  }
0x2e: {  	s3 =	simm.s32 @!p0 $0x1082;
	s9 =	sld [smem:$0x3FB7]  }
0x2f: {  	lr =	sadd.s32 s0, s3;
	s0 =	sld [smem:$0x3FAE]  }
0x30: {  	s3 =	sld [smem:$0x3FB1]  }
0x31: {  	[smem:$0x3FBA] =	sst s10  }
0x32: {  	s10 =	sld [smem:$0x3FB8];
	_ =	sdelay $0x3  }
0x33: {  	p0 =	seq.s32 s10, $0x1;
	s10 =	sld [smem:$0x3FBA];
	_ =	sdelay $0x3  }
0x34: {  	[smem:$0x3FBA] =	sst s10  }
0x35: {  	s10 =	sld [smem:$0x3FB9];
	_ =	sdelay $0x3  }
0x36: {  	p1 =	seq.s32 s10, $0x1;
	s10 =	sld [smem:$0x3FBA];
	_ =	sdelay $0x3  }
0x37: {  	[smem:$0x3FBA] =	sst s10  }
0x38: {  	s10 =	sld [smem:$0x3FBB]  }
0x39: {  	_ = 	snop;
	(pc) =	sbr.ind lr, $3  }
0x3a: {  	_ = 	snop  }
0x3b: {  	_ = 	snop  }
0x3c: {  	p2 =	seq.s32 s10, $0x1;
	s10 =	sld [smem:$0x3FBA]  }
0x3d: {  	_ =	shalt  }
0x3e: {  	_ =	shalt  }
0x3f: {  	_ =	shalt  }
0x40: {  	_ =	shalt  }
0x41: {  	_ =	shalt  }
0x42: {  	_ =	shalt  }
0x43: {  	_ =	shalt  }
0x44: {  	_ =	shalt  }
0x45: {  	_ =	shalt  }
0x46: {  	_ =	shalt  }
0x47: {  	_ =	shalt  }
0x48: {  	_ =	shalt  }
0x49: {  	_ =	shalt  }
0x4a: {  	_ =	shalt  }
0x4b: {  	_ =	shalt  }
0x4c: {  	_ =	shalt  }
0x4d: {  	_ =	shalt  }
0x4e: {  	_ =	shalt  }
0x4f: {  	_ =	shalt  }
0x50: {  	_ =	shalt  }
0x51: {  	_ =	shalt  }
0x52: {  	_ =	shalt  }
0x53: {  	_ =	shalt  }
0x54: {  	_ =	shalt  }
0x55: {  	_ =	shalt  }
0x56: {  	_ =	shalt  }
0x57: {  	_ =	shalt  }
0x58: {  	_ =	shalt  }
0x59: {  	_ =	shalt  }
0x5a: {  	_ =	shalt  }
0x5b: {  	_ =	shalt  }
0x5c: {  	_ =	shalt  }
0x5d: {  	_ =	shalt  }
0x5e: {  	_ =	shalt  }
0x5f: {  	_ =	shalt  }
0x60: {  	_ =	shalt  }
0x61: {  	_ =	shalt  }
0x62: {  	_ =	shalt  }
0x63: {  	_ =	shalt  }
0x64: {  	_ =	shalt  }
0x65: {  	_ =	shalt  }
0x66: {  	_ =	shalt  }
0x67: {  	_ =	shalt  }
0x68: {  	_ =	shalt  }
0x69: {  	_ =	shalt  }
0x6a: {  	_ =	shalt  }
0x6b: {  	_ =	shalt  }
0x6c: {  	_ =	shalt  }
0x6d: {  	_ =	shalt  }
0x6e: {  	_ =	shalt  }
0x6f: {  	_ =	shalt  }
0x70: {  	_ =	shalt  }
0x71: {  	_ =	shalt  }
0x72: {  	_ =	shalt  }
0x73: {  	_ =	shalt  }
0x74: {  	_ =	shalt  }
0x75: {  	_ =	shalt  }
0x76: {  	_ =	shalt  }
0x77: {  	_ =	shalt  }
0x78: {  	_ =	shalt  }
0x79: {  	_ =	shalt  }
0x7a: {  	_ =	shalt  }
0x7b: {  	_ =	shalt  }
0x7c: {  	_ =	shalt  }
0x7d: {  	_ =	shalt  }
0x7e: {  	_ =	shalt  }
0x7f: {  	_ =	shalt  }
0x80: {  	_ =	shalt  }
0x81: {  	_ =	shalt  }
0x82: {  	_ =	shalt  }
0x83: {  	_ =	shalt  }
0x84: {  	_ =	shalt  }
0x85: {  	_ =	shalt  }
0x86: {  	_ =	shalt  }
0x87: {  	_ =	shalt  }
.Lfunc_end0:
.L_simem_size_0:
called_computation.1_lowered:
.L_overlay_start_0:
0x88: {  	s2 =	sld [smem:$0x3FD9]  }
0x89: {  	s3 =	sld [smem:$0x3FFE];
	_ =	sdelay $0x1  }
0x8a: {  	s1 =	srdreg.scid  }
0x8b: {  	s0 =	sand.u32 $0x1, s1  }
0x8c: {  	s17 =	sshll.u32 s0, $0xA;
	s2 =	sadd.s32 s3, s2  }
0x8d: {  	s2 =	sadd.s32 s2, s17  }
0x8e: {  	[smem:$0x3FC6] =	sst s2  }
0x8f: {  	_ = 	snop  }
0x90: {  	s2 =	sld [smem:$0x3FD0];
	(tm) =	ssettm $0x1  }
0x91: {  	s18 =	sld [smem:$0x3FFB];
	_ =	sdelay $0x3  }
0x92: {  	_ =	strace s18  }
0x93: {  	s3 =	sld [smem:$0x3FFC];
	_ =	sdelay $0x3  }
0x94: {  	_ =	strace s3  }
0x95: {  	s3 =	sld [smem:$0x3FFD];
	_ =	sdelay $0x3  }
0x96: {  	_ =	strace s3  }
0x97: {  	_ =	strace $0x8FFFFFFF  }
0x98: {  	s19 =	sld [smem:$0x3FDB];
	_ =	sdelay $0x1  }
0x99: {  	s4 =	simm.s32 $_scs_section_size  }
0x9a: {  	s5 =	simm.s32 $_size__tile_overlayer_lowered;
	s6 =	simm.s32 $_tile_overlayer_lowered  }
0x9b: {  	s22 =	simm.s32 $0x1BFF;
	s21 =	sshll.u32 s6, $0x1;
	s3 =	sadd.s32 s4, s19  }
0x9c: {  	s7 =	simm.s32 $0x0;
	s20 =	sshll.u32 s5, $0x1;
	s5 =	sadd.s32 s21, s3  }
0x9d: {  	[timem:s7], [sflag:s22] =	dma.local [hbm:s5], s20  }
0x9e: {  	_ =	swait.ge [sflag:s22], s20  }
0x9f: {  	s4 =	ssub.s32 $0x0, s20;
	[sflag:s22] =	ssyncset.done $0x0  }
0xa0: {  	[sflag:s22] =	ssyncadd.s32 s4;
	_ =	sdelay $0x1  }
0xa1: {  	s23 =	simm.s32 $0x1B8B  }
0xa2: {  	_ =	swait.ge [sflag:s23], $0x1  }
0xa3: {  	[sflag:s23] =	ssyncset.done $0x0  }
0xa4: {  	s25 =	simm.s32 $0x1B8E;
	s24 =	sld [smem:$0x3FFE];
	[sflag:s23] =	ssyncadd.s32 $0xFFFFFFFF  }
0xa5: {  	s26 =	simm.s32 $execute0_lowered;
	[smem:$0x3FD2] =	sst s25  }
0xa6: {  	s5 =	sshll.u32 s26, $0x1;
	_ =	strace $0x80000046;
	[dreg:$0x1] =	wrdreg $0xFFFFFFFF  }
0xa7: {  	s28 =	simm.s32 $_size_execute0_lowered;
	s3 =	sadd.s32 s3, s5;
	[dreg:$0x0] =	wrdreg $0x0  }
0xa8: {  	s5 =	sshll.u32 s28, $0x1;
	[dreg:$0x2] =	wrdreg s3  }
0xa9: {  	[dreg:$0x3] =	wrdreg s5  }
0xaa: {  	[dreg:$0x4] =	wrdreg $0xC0  }
0xab: {  	_ =	task [dreg:s7], $0x5FFFF  }
0xac: {  	[dreg:$0x1] =	wrdreg $0xFFFFFFFF  }
0xad: {  	[dreg:$0x0] =	wrdreg $0x60  }
0xae: {  	[dreg:$0x2] =	wrdreg s24  }
0xaf: {  	[dreg:$0x3] =	wrdreg s2  }
0xb0: {  	[dreg:$0x4] =	wrdreg $0x145000  }
0xb1: {  	[dreg:$0x5] =	wrdreg $0x9  }
0xb2: {  	_ =	task.clear_ibuf [dreg:s7], $0x6FFFF;
	_ =	strace $0x90000046  }
0xb3: {  	s29 =	simm.s32 $0x9;
	_ =	strace $0x80000048  }
0xb4: {  	_ =	swait.ge [sflag:s29], $0x1  }
0xb5: {  	[sflag:s29] =	ssyncadd.s32 $0xFFFFFFFF  }
0xb6: {  	_ =	strace $0x90000048  }
0xb7: {  	_ =	sfence  }
0xb8: {  	s30 =	sld [smem:$0x0];
	_ =	sdelay $0x2  }
0xb9: {  	s31 =	sshll.u32 s1, $0xD;
	s1 =	sshrl.u32 s1, $0x2  }
0xba: {  	s3 =	sand.u32 $0x4000, s31;
	s1 =	sadd.s32 s1, s30  }
0xbb: {  	s0 =	sor.u32 s3, s0;
	s1 =	sshll.u32 s1, $0x11  }
0xbc: {  	s0 =	sor.u32 s1, s0  }
0xbd: {  	s0 =	sadd.s32 $0x8F2B, s0  }
0xbe: {  	[sflag:s0] =	ssyncadd.remote.s32 $0x1  }
0xbf: {  	_ =	sfence.sel $0xFFFF  }
0xc0: {  	[dreg:$0x0] =	wrdreg $0xFFFFFFFF;
	(pc) =	sbr.abs _section_cstart, $3  }
0xc1: {  	[dreg:$0x1] =	wrdreg $0xFFFFFFFF  }
0xc2: {  	_ =	task.clear_ibuf [dreg:s7], $0x2FFFF;
	_ =	strace $0x9FFFFFFF  }
0xc3: {  	(tm) =	ssettm $0x7FFFFFFF  }
tec
execute0_lowered:
.L_overlay_start_1:
0x0: {  	(tag) =	ssettag $0x1  }
0x1: {  	s0 =	rddreg [dreg:$0x0]  }
0x2: {  	s5 =	rddreg [dreg:$0x1]  }
0x3: {  	s1 =	rddreg [dreg:$0x2]  }
0x4: {  	s2 =	simm.s32 $0x0;
	s3 =	srdreg.scid;
	s6 =	stileid.u32  }
0x5: {  	s17 =	simm.s32 $0x5;
	s28 =	simm.s32 $0x280;
	s29 =	simm.s32 $0xA500  }
0x6: {  	s16 =	simm.s32 $0x2;
	s14 =	simm.s32 $0x4;
	s31 =	simm.s32 $0x2500  }
0x7: {  	[smem:$0x7FF] =	sst s2;
	s7 =	sand.u32 $0x1, s3;
	s18 =	sshll.u32 s6, $0x1  }
0x8: {  	s3 =	sadd.s32 $0x2400, s0;
	s4 =	sadd.s32 $0x1B400, s0;
	s0 =	sadd.s32 $0xA00, s0  }
0x9: {  	s12 =	smul.u32 $0xC800, s6;
	s21 =	sadd.s32 $0xA00, s1;
	p0 =	sne.s32 s6, $0x0  }
0xa: {  	s8 =	sor.u32 s7, s18;
	s19 =	ssub.s32 $0x2, s7;
	s7 =	smul.u32 $0x6400, s7  }
0xb: {  	_ =	strace $0x80000047;
	[dreg:$0x4] =	wrdreg s0;
	s9 =	smul.u32 $0x6400, s8  }
0xc: {  	s6 =	simm.s32 $0x3;
	[dreg:$0x7] =	wrdreg s21;
	s10 =	smul.u32 $0x190000, s8  }
0xd: {  	s18 =	simm.s32 $0x500;
	s11 =	sshrl.u32 s19, $0x1;
	s8 =	smul.u32 $0x32000, s8  }
0xe: {  	s0 =	ssub.s32 s19, s11;
	s7 =	sadd.s32 s7, s12;
	s19 =	simm.s32 $0x80  }
0xf: {  	s11 =	simm.s32 $0x1;
	s9 =	sshrl.u32 s9, $0x3;
	s20 =	sshrl.u32 s10, $0x3  }
0x10: {  	s8 =	sadd.s32 s5, s8;
	s23 =	sshll.u32 s7, $0x3;
	s0 =	smax.u32 s0, $0x1  }
0x11: {  	s25 =	sadd.s32 $0x780, s7;
	s13 =	sadd.s32 $0x500, s7;
	[dreg:$0x8] =	wrdreg s8  }
0x12: {  	s7 =	simm.s32 $0x180;
	s9 =	sadd.s32 s3, s9;
	[dreg:$0xa] =	wrdreg s0  }
0x13: {  	s24 =	sadd.s32 s23, s5;
	[dreg:$0x5] =	wrdreg s9;
	s9 =	sadd.s32 $0x50, s9  }
0x14: {  	s26 =	sshrl.u32 s25, $0x3;
	s0 =	sadd.s32 $0x1400, s24;
	[dreg:$0x6] =	wrdreg s9  }
0x15: {  	s9 =	sadd.s32 s5, s20;
	[dreg:$0xb] =	wrdreg s0;
	s0 =	sadd.s32 s26, s3  }
0x16: {  	s30 =	sshll.u32 s13, $0x3;
	s22 =	sadd.s32 $0x30C00, s9;
	[dreg:$0xc] =	wrdreg s0  }
0x17: {  	s10 =	simm.s32 $0x8500;
	s0 =	sadd.s32 s30, s5;
	[dreg:$0x9] =	wrdreg s22  }
0x18: {  	s8 =	simm.s32 $0x6500;
	[dreg:$0xd] =	wrdreg s0;
	s0 =	sshrl.u32 @!p0 s1, $0x3  }
0x19: {  	s9 =	simm.s32 $0x200;
	[dreg:$0xe] =	wrdreg s0;
	s0 =	simm.s32 $0x0  }
.LBB2_1:
0x1a: {  	[dreg:$0xf] =	wrdreg s0  }
0x1b: {  	s15 =	rddreg [dreg:$0x4]  }
0x1c: {  	s12 =	simm.s32 @!p0 $0x1C05;
	s20 =	rddreg [dreg:$0xe]  }
0x1d: {  	[spmem:s20], [sflag:s12] =	dma.local @!p0 [hbm:s15], $0x1900  }
0x1e: {  	s12 =	simm.s32 @!p0 $0x5  }
0x1f: {  	_ =	swait.ge @!p0 [sflag:s12], $0x1900  }
0x20: {  	[sflag:s12] =	ssyncset.done @!p0 $0x0  }
0x21: {  	[sflag:s12] =	ssyncadd.s32 @!p0 $0xFFFFE700  }
0x22: {  	[bflag:$0x0] =	sbarrier.arrive $0xFFFF  }
0x23: {  	s30 =	rddreg [dreg:$0x5]  }
0x24: {  	[tilespmem:s2], [sflag:$0x5] =	stream.linear.gather [hbm4b:s30+s2], $0x280, $0x38;
	[tilespmem:$0x15180] =	vst v63  }
0x25: {  	_ =	swait.ge [sflag:s17], $0x280  }
0x26: {  	[sflag:s17] =	ssyncset.done $0x0  }
0x27: {  	[sflag:s17] =	ssyncadd.s32 $0xFFFFFD80  }
0x28: {  	[tilespmem:s18], [sflag:$0x5] =	stream.linear.gather [spmem:s1], $0xA000, $0x38;
	[tilespmem:$0x15180] =	vst v63  }
0x29: {  	_ =	swait.ge [sflag:s17], $0xA000  }
0x2a: {  	[sflag:s17] =	ssyncset.done $0x0  }
0x2b: {  	[sflag:s17] =	ssyncadd.s32 $0xFFFF6000  }
0x2c: {  	[tilespmem:s18], [sflag:$0x1] =	stream.indirect.gather.add.f32 [hbm:s4], $0x40, s2, s19, $0xb8;
	[tilespmem:$0x15180] =	vst v63  }
0x2d: {  	s20 =	simm.s32 $0x2500  }
0x2e: {  	[tilespmem:s20], [sflag:$0x1] =	stream.indirect.gather.add.f32 [hbm:s4], $0x40, s19, s19, $0xb8;
	[tilespmem:$0x15180] =	vst v63  }
0x2f: {  	s21 =	simm.s32 $0x100;
	s22 =	simm.s32 $0x4500  }
0x30: {  	[tilespmem:s22], [sflag:$0x1] =	stream.indirect.gather.add.f32 [hbm:s4], $0x40, s21, s19, $0xb8;
	[tilespmem:$0x15180] =	vst v63  }
0x31: {  	s23 =	simm.s32 $0x180;
	s24 =	simm.s32 $0x6500  }
0x32: {  	[tilespmem:s24], [sflag:$0x1] =	stream.indirect.gather.add.f32 [hbm:s4], $0x40, s23, s19, $0xb8;
	[tilespmem:$0x15180] =	vst v63  }
0x33: {  	s25 =	simm.s32 $0x200;
	s26 =	simm.s32 $0x8500  }
0x34: {  	[tilespmem:s26], [sflag:$0x1] =	stream.indirect.gather.add.f32 [hbm:s4], $0x40, s25, s19, $0xb8;
	[tilespmem:$0x15180] =	vst v63  }
0x35: {  	s0 =	rddreg [dreg:$0x6]  }
0x36: {  	[tilespmem:s28], [sflag:$0x5] =	stream.linear.gather [hbm4b:s0+s2], $0x280, $0x38;
	[tilespmem:$0x15180] =	vst v63  }
0x37: {  	_ =	swait.ge [sflag:s17], $0x280  }
0x38: {  	[sflag:s17] =	ssyncset.done $0x0  }
0x39: {  	s5 =	rddreg [dreg:$0x7];
	[sflag:s17] =	ssyncadd.s32 $0xFFFFFD80  }
0x3a: {  	[tilespmem:s29], [sflag:$0x5] =	stream.linear.gather [spmem:s5], $0xA000, $0x38;
	[tilespmem:$0x15180] =	vst v63  }
0x3b: {  	_ =	swait.ge [sflag:s17], $0xA000  }
0x3c: {  	[sflag:s17] =	ssyncset.done $0x0  }
0x3d: {  	[sflag:s17] =	ssyncadd.s32 $0xFFFF6000  }
0x3e: {  	[tilespmem:s29], [sflag:$0x2] =	stream.indirect.gather.add.f32 [hbm:s4], $0x40, s28, s19, $0xb8;
	[tilespmem:$0x15180] =	vst v63  }
0x3f: {  	s12 =	simm.s32 $0x300;
	s30 =	simm.s32 $0xC500  }
0x40: {  	[tilespmem:s30], [sflag:$0x2] =	stream.indirect.gather.add.f32 [hbm:s4], $0x40, s12, s19, $0xb8;
	[tilespmem:$0x15180] =	vst v63  }
0x41: {  	s15 =	simm.s32 $0x380;
	s5 =	simm.s32 $0xE500  }
0x42: {  	[tilespmem:s5], [sflag:$0x2] =	stream.indirect.gather.add.f32 [hbm:s4], $0x40, s15, s19, $0xb8;
	[tilespmem:$0x15180] =	vst v63  }
0x43: {  	s12 =	simm.s32 $0x400;
	s15 =	simm.s32 $0x10500  }
0x44: {  	[tilespmem:s15], [sflag:$0x2] =	stream.indirect.gather.add.f32 [hbm:s4], $0x40, s12, s19, $0xb8;
	[tilespmem:$0x15180] =	vst v63  }
0x45: {  	s5 =	simm.s32 $0x480;
	s12 =	simm.s32 $0x12500  }
0x46: {  	[tilespmem:s12], [sflag:$0x2] =	stream.indirect.gather.add.f32 [hbm:s4], $0x40, s5, s19, $0xb8;
	[tilespmem:$0x15180] =	vst v63  }
0x47: {  	_ =	swait.ge [sflag:s11], $0x2000  }
0x48: {  	[sflag:s11] =	ssyncset.done $0x0  }
0x49: {  	[sflag:s11] =	ssyncadd.s32 $0xFFFFE000  }
0x4a: {  	_ =	swait.ge [sflag:s11], $0x2000  }
0x4b: {  	[sflag:s11] =	ssyncset.done $0x0  }
0x4c: {  	[sflag:s11] =	ssyncadd.s32 $0xFFFFE000  }
0x4d: {  	_ =	swait.ge [sflag:s11], $0x2000  }
0x4e: {  	[sflag:s11] =	ssyncset.done $0x0  }
0x4f: {  	[sflag:s11] =	ssyncadd.s32 $0xFFFFE000  }
0x50: {  	s15 =	simm.s32 $0x500;
	_ =	swait.ge [sflag:s11], $0x2000  }
0x51: {  	s12 =	sand.u32 $0xFFF8, s15;
	[sflag:s11] =	ssyncset.done $0x0  }
0x52: {  	s12 =	sshrl.u32 s12, $0x3;
	[sflag:s11] =	ssyncadd.s32 $0xFFFFE000  }
0x53: {  	s12 =	smul.u32 $0x147B, s12;
	_ =	swait.ge [sflag:s11], $0x2000  }
0x54: {  	s5 =	sadd.s32 $0x780, s13;
	[sflag:s11] =	ssyncset.done $0x0  }
0x55: {  	s12 =	sshrl.u32 s12, $0x11;
	s0 =	rddreg [dreg:$0x8];
	[sflag:s11] =	ssyncadd.s32 $0xFFFFE000  }
0x56: {  	[hbm4b:s0+s2] =	stream.linear.scatter [tilespmem:s18], [sflag:$0x3], $0xA000, $0x38;
	[tilespmem:$0x15180] =	vst v63  }
0x57: {  	s15 =	sadd.s32 $0xFFFFF880, s5;
	s12 =	smul.u32 $0xC8, s12;
	_ =	swait.ge [sflag:s6], $0xA000  }
0x58: {  	s15 =	sshrl.u32 s15, $0x3;
	[sflag:s6] =	ssyncset.done $0x0  }
0x59: {  	s15 =	sadd.s32 s3, s15;
	s12 =	ssub.s32 $0x500, s12;
	[sflag:s6] =	ssyncadd.s32 $0xFFFF6000  }
0x5a: {  	[tilespmem:s2], [sflag:$0x5] =	stream.linear.gather [hbm4b:s15+s2], $0x280, $0x38;
	[tilespmem:$0x15180] =	vst v63  }
0x5b: {  	s12 =	sshll.u32 s12, $0x6;
	_ =	swait.ge [sflag:s17], $0x280  }
0x5c: {  	s12 =	sand.u32 $0x3FC0, s12;
	[sflag:s17] =	ssyncset.done $0x0  }
0x5d: {  	s12 =	sadd.s32 s12, s1;
	[sflag:s17] =	ssyncadd.s32 $0xFFFFFD80  }
0x5e: {  	[tilespmem:s18], [sflag:$0x5] =	stream.linear.gather [spmem:s12], $0xA000, $0x38;
	[tilespmem:$0x15180] =	vst v63  }
0x5f: {  	_ =	swait.ge [sflag:s17], $0xA000  }
0x60: {  	[sflag:s17] =	ssyncset.done $0x0  }
0x61: {  	[sflag:s17] =	ssyncadd.s32 $0xFFFF6000  }
0x62: {  	[tilespmem:s18], [sflag:$0x1] =	stream.indirect.gather.add.f32 [hbm:s4], $0x40, s2, s19, $0xb8;
	[tilespmem:$0x15180] =	vst v63  }
0x63: {  	_ = 	snop  }
0x64: {  	[tilespmem:s20], [sflag:$0x1] =	stream.indirect.gather.add.f32 [hbm:s4], $0x40, s19, s19, $0xb8;
	[tilespmem:$0x15180] =	vst v63  }
0x65: {  	_ = 	snop  }
0x66: {  	[tilespmem:s22], [sflag:$0x1] =	stream.indirect.gather.add.f32 [hbm:s4], $0x40, s21, s19, $0xb8;
	[tilespmem:$0x15180] =	vst v63  }
0x67: {  	_ = 	snop  }
0x68: {  	[tilespmem:s24], [sflag:$0x1] =	stream.indirect.gather.add.f32 [hbm:s4], $0x40, s23, s19, $0xb8;
	[tilespmem:$0x15180] =	vst v63  }
0x69: {  	_ = 	snop  }
0x6a: {  	[tilespmem:s26], [sflag:$0x1] =	stream.indirect.gather.add.f32 [hbm:s4], $0x40, s25, s19, $0xb8;
	[tilespmem:$0x15180] =	vst v63  }
0x6b: {  	_ =	swait.ge [sflag:s16], $0x2000  }
0x6c: {  	[sflag:s16] =	ssyncset.done $0x0  }
0x6d: {  	[sflag:s16] =	ssyncadd.s32 $0xFFFFE000  }
0x6e: {  	_ =	swait.ge [sflag:s16], $0x2000  }
0x6f: {  	[sflag:s16] =	ssyncset.done $0x0  }
0x70: {  	[sflag:s16] =	ssyncadd.s32 $0xFFFFE000  }
0x71: {  	_ =	swait.ge [sflag:s16], $0x2000  }
0x72: {  	[sflag:s16] =	ssyncset.done $0x0  }
0x73: {  	[sflag:s16] =	ssyncadd.s32 $0xFFFFE000  }
0x74: {  	s22 =	simm.s32 $0x780;
	_ =	swait.ge [sflag:s16], $0x2000  }
0x75: {  	s12 =	sand.u32 $0xFFF8, s22;
	[sflag:s16] =	ssyncset.done $0x0  }
0x76: {  	s12 =	sshrl.u32 s12, $0x3;
	[sflag:s16] =	ssyncadd.s32 $0xFFFFE000  }
0x77: {  	s12 =	smul.u32 $0x147B, s12;
	_ =	swait.ge [sflag:s16], $0x2000  }
0x78: {  	[sflag:s16] =	ssyncset.done $0x0  }
0x79: {  	s12 =	sshrl.u32 s12, $0x11;
	s21 =	rddreg [dreg:$0xb];
	[sflag:s16] =	ssyncadd.s32 $0xFFFFE000  }
0x7a: {  	[hbm4b:s21+s2] =	stream.linear.scatter [tilespmem:s29], [sflag:$0x4], $0xA000, $0x38;
	[tilespmem:$0x15180] =	vst v63  }
0x7b: {  	s12 =	smul.u32 $0xC8, s12;
	_ =	swait.ge [sflag:s14], $0xA000  }
0x7c: {  	[sflag:s14] =	ssyncset.done $0x0  }
0x7d: {  	s12 =	ssub.s32 $0x780, s12;
	s22 =	rddreg [dreg:$0xc];
	[sflag:s14] =	ssyncadd.s32 $0xFFFF6000  }
0x7e: {  	[tilespmem:s28], [sflag:$0x5] =	stream.linear.gather [hbm4b:s22+s2], $0x280, $0x38;
	[tilespmem:$0x15180] =	vst v63  }
0x7f: {  	s12 =	sshll.u32 s12, $0x6;
	_ =	swait.ge [sflag:s17], $0x280  }
0x80: {  	s12 =	sand.u32 $0x3FC0, s12;
	[sflag:s17] =	ssyncset.done $0x0  }
0x81: {  	s12 =	sadd.s32 s12, s1;
	[sflag:s17] =	ssyncadd.s32 $0xFFFFFD80  }
0x82: {  	[tilespmem:s29], [sflag:$0x5] =	stream.linear.gather [spmem:s12], $0xA000, $0x38;
	[tilespmem:$0x15180] =	vst v63  }
0x83: {  	_ =	swait.ge [sflag:s17], $0xA000  }
0x84: {  	[sflag:s17] =	ssyncset.done $0x0  }
0x85: {  	[sflag:s17] =	ssyncadd.s32 $0xFFFF6000  }
0x86: {  	[tilespmem:s29], [sflag:$0x2] =	stream.indirect.gather.add.f32 [hbm:s4], $0x40, s28, s19, $0xb8;
	[tilespmem:$0x15180] =	vst v63  }
0x87: {  	s23 =	simm.s32 $0x300  }
0x88: {  	[tilespmem:s30], [sflag:$0x2] =	stream.indirect.gather.add.f32 [hbm:s4], $0x40, s23, s19, $0xb8;
	[tilespmem:$0x15180] =	vst v63  }
0x89: {  	s24 =	simm.s32 $0x380;
	s25 =	simm.s32 $0xE500  }
0x8a: {  	[tilespmem:s25], [sflag:$0x2] =	stream.indirect.gather.add.f32 [hbm:s4], $0x40, s24, s19, $0xb8;
	[tilespmem:$0x15180] =	vst v63  }
0x8b: {  	s26 =	simm.s32 $0x400;
	s30 =	simm.s32 $0x10500  }
0x8c: {  	[tilespmem:s30], [sflag:$0x2] =	stream.indirect.gather.add.f32 [hbm:s4], $0x40, s26, s19, $0xb8;
	[tilespmem:$0x15180] =	vst v63  }
0x8d: {  	s20 =	simm.s32 $0x480;
	s23 =	simm.s32 $0x12500  }
0x8e: {  	[tilespmem:s23], [sflag:$0x2] =	stream.indirect.gather.add.f32 [hbm:s4], $0x40, s20, s19, $0xb8;
	[tilespmem:$0x15180] =	vst v63  }
0x8f: {  	_ =	swait.ge [sflag:s11], $0x2000  }
0x90: {  	[sflag:s11] =	ssyncset.done $0x0  }
0x91: {  	[sflag:s11] =	ssyncadd.s32 $0xFFFFE000  }
0x92: {  	s25 =	simm.s32 $0xA00;
	_ =	swait.ge [sflag:s11], $0x2000  }
0x93: {  	s5 =	simm.s32 $0x4500;
	s24 =	sand.u32 $0xFFF8, s25;
	[sflag:s11] =	ssyncset.done $0x0  }
0x94: {  	s0 =	simm.s32 $0x100;
	s26 =	sshrl.u32 s24, $0x3;
	[sflag:s11] =	ssyncadd.s32 $0xFFFFE000  }
0x95: {  	s12 =	simm.s32 $0xC80;
	s26 =	smul.u32 $0x147B, s26;
	_ =	swait.ge [sflag:s11], $0x2000  }
0x96: {  	s23 =	simm.s32 $0x1180;
	s20 =	sadd.s32 $0xA0, s22;
	s30 =	rddreg [dreg:$0xd]  }
0x97: {  	[sflag:s11] =	ssyncset.done $0x0;
	s15 =	sadd.s32 $0x2800, s30;
	s22 =	smov.u32 s30  }
.LBB2_2:
0x98: {  	[sflag:s11] =	ssyncadd.s32 $0xFFFFE000  }
0x99: {  	s21 =	sadd.s32 $0x2800, s21;
	s24 =	smov.u32 s23;
	s30 =	sadd.s32 $0x500, s23  }
0x9a: {  	p1 =	sne.s32 s23, $0x6180;
	s23 =	sshrl.u32 s26, $0x11;
	_ =	swait.ge [sflag:s11], $0x2000  }
0x9b: {  	s23 =	smul.u32 $0xC8, s23;
	[sflag:s11] =	ssyncset.done $0x0  }
0x9c: {  	s26 =	sadd.s32 s12, s13;
	[sflag:s11] =	ssyncadd.s32 $0xFFFFE000  }
0x9d: {  	_ =	swait.ge [sflag:s11], $0x2000  }
0x9e: {  	s26 =	sadd.s32 $0xFFFFF880, s26;
	s23 =	ssub.s32 s25, s23;
	[sflag:s11] =	ssyncset.done $0x0  }
0x9f: {  	s25 =	sshrl.u32 s26, $0x3;
	s23 =	sshll.u32 s23, $0x6;
	[sflag:s11] =	ssyncadd.s32 $0xFFFFE000  }
0xa0: {  	[hbm4b:s22+s2] =	stream.linear.scatter [tilespmem:s18], [sflag:$0x3], $0xA000, $0x38;
	[tilespmem:$0x15180] =	vst v63  }
0xa1: {  	s23 =	sand.u32 $0x3FC0, s23;
	s22 =	smov.u32 s15;
	_ =	swait.ge [sflag:s6], $0xA000  }
0xa2: {  	[sflag:s6] =	ssyncset.done $0x0  }
0xa3: {  	s25 =	sadd.s32 s3, s25;
	[sflag:s6] =	ssyncadd.s32 $0xFFFF6000  }
0xa4: {  	[tilespmem:s2], [sflag:$0x5] =	stream.linear.gather [hbm4b:s25+s2], $0x280, $0x38;
	[tilespmem:$0x15180] =	vst v63  }
0xa5: {  	_ =	swait.ge [sflag:s17], $0x280  }
0xa6: {  	[sflag:s17] =	ssyncset.done $0x0  }
0xa7: {  	s23 =	sadd.s32 s23, s1;
	[sflag:s17] =	ssyncadd.s32 $0xFFFFFD80  }
0xa8: {  	[tilespmem:s18], [sflag:$0x5] =	stream.linear.gather [spmem:s23], $0xA000, $0x38;
	[tilespmem:$0x15180] =	vst v63  }
0xa9: {  	_ =	swait.ge [sflag:s17], $0xA000  }
0xaa: {  	[sflag:s17] =	ssyncset.done $0x0  }
0xab: {  	[sflag:s17] =	ssyncadd.s32 $0xFFFF6000  }
0xac: {  	[tilespmem:s18], [sflag:$0x1] =	stream.indirect.gather.add.f32 [hbm:s4], $0x40, s2, s19, $0xb8;
	[tilespmem:$0x15180] =	vst v63  }
0xad: {  	_ = 	snop  }
0xae: {  	[tilespmem:s31], [sflag:$0x1] =	stream.indirect.gather.add.f32 [hbm:s4], $0x40, s19, s19, $0xb8;
	[tilespmem:$0x15180] =	vst v63  }
0xaf: {  	_ = 	snop  }
0xb0: {  	[tilespmem:s5], [sflag:$0x1] =	stream.indirect.gather.add.f32 [hbm:s4], $0x40, s0, s19, $0xb8;
	[tilespmem:$0x15180] =	vst v63  }
0xb1: {  	_ = 	snop  }
0xb2: {  	[tilespmem:s8], [sflag:$0x1] =	stream.indirect.gather.add.f32 [hbm:s4], $0x40, s7, s19, $0xb8;
	[tilespmem:$0x15180] =	vst v63  }
0xb3: {  	_ = 	snop  }
0xb4: {  	[tilespmem:s10], [sflag:$0x1] =	stream.indirect.gather.add.f32 [hbm:s4], $0x40, s9, s19, $0xb8;
	[tilespmem:$0x15180] =	vst v63  }
0xb5: {  	_ =	swait.ge [sflag:s16], $0x2000  }
0xb6: {  	[sflag:s16] =	ssyncset.done $0x0  }
0xb7: {  	[sflag:s16] =	ssyncadd.s32 $0xFFFFE000  }
0xb8: {  	_ =	swait.ge [sflag:s16], $0x2000  }
0xb9: {  	[sflag:s16] =	ssyncset.done $0x0  }
0xba: {  	[sflag:s16] =	ssyncadd.s32 $0xFFFFE000  }
0xbb: {  	_ =	swait.ge [sflag:s16], $0x2000  }
0xbc: {  	[sflag:s16] =	ssyncset.done $0x0  }
0xbd: {  	[sflag:s16] =	ssyncadd.s32 $0xFFFFE000  }
0xbe: {  	s23 =	sand.u32 $0xFFF8, s12;
	_ =	swait.ge [sflag:s16], $0x2000  }
0xbf: {  	s23 =	sshrl.u32 s23, $0x3;
	[sflag:s16] =	ssyncset.done $0x0  }
0xc0: {  	s23 =	smul.u32 $0x147B, s23;
	[sflag:s16] =	ssyncadd.s32 $0xFFFFE000  }
0xc1: {  	_ =	swait.ge [sflag:s16], $0x2000  }
0xc2: {  	s23 =	sshrl.u32 s23, $0x11;
	[sflag:s16] =	ssyncset.done $0x0  }
0xc3: {  	s23 =	smul.u32 $0xC8, s23;
	[sflag:s16] =	ssyncadd.s32 $0xFFFFE000  }
0xc4: {  	[hbm4b:s21+s2] =	stream.linear.scatter [tilespmem:s29], [sflag:$0x4], $0xA000, $0x38;
	[tilespmem:$0x15180] =	vst v63  }
0xc5: {  	_ =	swait.ge [sflag:s14], $0xA000  }
0xc6: {  	s23 =	ssub.s32 s12, s23;
	s12 =	smov.u32 s24;
	[sflag:s14] =	ssyncset.done $0x0  }
0xc7: {  	s23 =	sshll.u32 s23, $0x6;
	[sflag:s14] =	ssyncadd.s32 $0xFFFF6000  }
0xc8: {  	[tilespmem:s28], [sflag:$0x5] =	stream.linear.gather [hbm4b:s20+s2], $0x280, $0x38;
	[tilespmem:$0x15180] =	vst v63  }
0xc9: {  	s23 =	sand.u32 $0x3FC0, s23;
	_ =	swait.ge [sflag:s17], $0x280  }
0xca: {  	s23 =	sadd.s32 s23, s1;
	[sflag:s17] =	ssyncset.done $0x0  }
0xcb: {  	[sflag:s17] =	ssyncadd.s32 $0xFFFFFD80  }
0xcc: {  	[tilespmem:s29], [sflag:$0x5] =	stream.linear.gather [spmem:s23], $0xA000, $0x38;
	[tilespmem:$0x15180] =	vst v63  }
0xcd: {  	_ =	swait.ge [sflag:s17], $0xA000  }
0xce: {  	[sflag:s17] =	ssyncset.done $0x0  }
0xcf: {  	[sflag:s17] =	ssyncadd.s32 $0xFFFF6000  }
0xd0: {  	[tilespmem:s29], [sflag:$0x2] =	stream.indirect.gather.add.f32 [hbm:s4], $0x40, s28, s19, $0xb8;
	[tilespmem:$0x15180] =	vst v63  }
0xd1: {  	s24 =	simm.s32 $0xC500;
	s23 =	simm.s32 $0x300  }
0xd2: {  	[tilespmem:s24], [sflag:$0x2] =	stream.indirect.gather.add.f32 [hbm:s4], $0x40, s23, s19, $0xb8;
	[tilespmem:$0x15180] =	vst v63  }
0xd3: {  	s23 =	simm.s32 $0x380;
	s24 =	simm.s32 $0xE500  }
0xd4: {  	[tilespmem:s24], [sflag:$0x2] =	stream.indirect.gather.add.f32 [hbm:s4], $0x40, s23, s19, $0xb8;
	[tilespmem:$0x15180] =	vst v63  }
0xd5: {  	s23 =	simm.s32 $0x400;
	s24 =	simm.s32 $0x10500  }
0xd6: {  	[tilespmem:s24], [sflag:$0x2] =	stream.indirect.gather.add.f32 [hbm:s4], $0x40, s23, s19, $0xb8;
	[tilespmem:$0x15180] =	vst v63  }
0xd7: {  	s23 =	simm.s32 $0x480;
	s24 =	simm.s32 $0x12500  }
0xd8: {  	[tilespmem:s24], [sflag:$0x2] =	stream.indirect.gather.add.f32 [hbm:s4], $0x40, s23, s19, $0xb8;
	[tilespmem:$0x15180] =	vst v63  }
0xd9: {  	_ =	swait.ge [sflag:s11], $0x2000  }
0xda: {  	[sflag:s11] =	ssyncset.done $0x0  }
0xdb: {  	[sflag:s11] =	ssyncadd.s32 $0xFFFFE000  }
.Ltmp0:
0xdc: {  	_ =	swait.ge [sflag:s11], $0x2000;
	(pc) =	sbr.rel @p1 .LBB2_2-.Ltmp0, $4  }
0xdd: {  	s25 =	sadd.s32 $0xFFFFFD80, s12;
	[sflag:s11] =	ssyncset.done $0x0  }
0xde: {  	s15 =	sadd.s32 $0x2800, s15;
	s23 =	sand.u32 $0xFFF8, s25;
	[sflag:s11] =	ssyncadd.s32 $0xFFFFE000  }
0xdf: {  	s20 =	sadd.s32 $0xA0, s20;
	s23 =	sshrl.u32 s23, $0x3;
	_ =	swait.ge [sflag:s11], $0x2000  }
0xe0: {  	s26 =	smul.u32 $0x147B, s23;
	s23 =	smov.u32 s30;
	[sflag:s11] =	ssyncset.done $0x0  }
0xe1: {  	[sflag:s11] =	ssyncadd.s32 $0xFFFFE000  }
0xe2: {  	_ =	swait.ge [sflag:s11], $0x2000  }
0xe3: {  	[sflag:s11] =	ssyncset.done $0x0  }
0xe4: {  	[sflag:s11] =	ssyncadd.s32 $0xFFFFE000  }
0xe5: {  	_ =	swait.ge [sflag:s11], $0x2000  }
0xe6: {  	[sflag:s11] =	ssyncset.done $0x0  }
0xe7: {  	s23 =	sadd.s32 s12, s13;
	s30 =	sshrl.u32 s26, $0x11;
	[sflag:s11] =	ssyncadd.s32 $0xFFFFE000  }
0xe8: {  	[hbm4b:s22+s2] =	stream.linear.scatter [tilespmem:s18], [sflag:$0x3], $0xA000, $0x38;
	[tilespmem:$0x15180] =	vst v63  }
0xe9: {  	s23 =	sadd.s32 $0xFFFFF880, s23;
	s22 =	smul.u32 $0xC8, s30;
	_ =	swait.ge [sflag:s6], $0xA000  }
0xea: {  	s23 =	sshrl.u32 s23, $0x3;
	[sflag:s6] =	ssyncset.done $0x0  }
0xeb: {  	s23 =	sadd.s32 s3, s23;
	s22 =	ssub.s32 s25, s22;
	[sflag:s6] =	ssyncadd.s32 $0xFFFF6000  }
0xec: {  	[tilespmem:s2], [sflag:$0x5] =	stream.linear.gather [hbm4b:s23+s2], $0x280, $0x38;
	[tilespmem:$0x15180] =	vst v63  }
0xed: {  	s22 =	sshll.u32 s22, $0x6;
	_ =	swait.ge [sflag:s17], $0x280  }
0xee: {  	s22 =	sand.u32 $0x3FC0, s22;
	[sflag:s17] =	ssyncset.done $0x0  }
0xef: {  	s22 =	sadd.s32 s22, s1;
	[sflag:s17] =	ssyncadd.s32 $0xFFFFFD80  }
0xf0: {  	[tilespmem:s18], [sflag:$0x5] =	stream.linear.gather [spmem:s22], $0xA000, $0x38;
	[tilespmem:$0x15180] =	vst v63  }
0xf1: {  	_ =	swait.ge [sflag:s17], $0xA000  }
0xf2: {  	[sflag:s17] =	ssyncset.done $0x0  }
0xf3: {  	[sflag:s17] =	ssyncadd.s32 $0xFFFF6000  }
0xf4: {  	[tilespmem:s18], [sflag:$0x1] =	stream.indirect.gather.add.f32 [hbm:s4], $0x40, s2, s19, $0xb8;
	[tilespmem:$0x15180] =	vst v63  }
0xf5: {  	_ = 	snop  }
0xf6: {  	[tilespmem:s31], [sflag:$0x1] =	stream.indirect.gather.add.f32 [hbm:s4], $0x40, s19, s19, $0xb8;
	[tilespmem:$0x15180] =	vst v63  }
0xf7: {  	_ = 	snop  }
0xf8: {  	[tilespmem:s5], [sflag:$0x1] =	stream.indirect.gather.add.f32 [hbm:s4], $0x40, s0, s19, $0xb8;
	[tilespmem:$0x15180] =	vst v63  }
0xf9: {  	_ = 	snop  }
0xfa: {  	[tilespmem:s8], [sflag:$0x1] =	stream.indirect.gather.add.f32 [hbm:s4], $0x40, s7, s19, $0xb8;
	[tilespmem:$0x15180] =	vst v63  }
0xfb: {  	_ = 	snop  }
0xfc: {  	[tilespmem:s10], [sflag:$0x1] =	stream.indirect.gather.add.f32 [hbm:s4], $0x40, s9, s19, $0xb8;
	[tilespmem:$0x15180] =	vst v63  }
0xfd: {  	_ =	swait.ge [sflag:s16], $0x2000  }
0xfe: {  	[sflag:s16] =	ssyncset.done $0x0  }
0xff: {  	[sflag:s16] =	ssyncadd.s32 $0xFFFFE000  }
0x100: {  	_ =	swait.ge [sflag:s16], $0x2000  }
0x101: {  	[sflag:s16] =	ssyncset.done $0x0  }
0x102: {  	[sflag:s16] =	ssyncadd.s32 $0xFFFFE000  }
0x103: {  	_ =	swait.ge [sflag:s16], $0x2000  }
0x104: {  	[sflag:s16] =	ssyncset.done $0x0  }
0x105: {  	[sflag:s16] =	ssyncadd.s32 $0xFFFFE000  }
0x106: {  	_ =	swait.ge [sflag:s16], $0x2000  }
0x107: {  	s23 =	sand.u32 $0xFFF8, s12;
	[sflag:s16] =	ssyncset.done $0x0  }
0x108: {  	s22 =	sshrl.u32 s23, $0x3;
	[sflag:s16] =	ssyncadd.s32 $0xFFFFE000  }
0x109: {  	s22 =	smul.u32 $0x147B, s22;
	_ =	swait.ge [sflag:s16], $0x2000  }
0x10a: {  	[sflag:s16] =	ssyncset.done $0x0  }
0x10b: {  	s21 =	sadd.s32 $0x2800, s21;
	s24 =	sshrl.u32 s22, $0x11;
	[sflag:s16] =	ssyncadd.s32 $0xFFFFE000  }
0x10c: {  	[hbm4b:s21+s2] =	stream.linear.scatter [tilespmem:s29], [sflag:$0x4], $0xA000, $0x38;
	[tilespmem:$0x15180] =	vst v63  }
0x10d: {  	s21 =	smul.u32 $0xC8, s24;
	_ =	swait.ge [sflag:s14], $0xA000  }
0x10e: {  	[sflag:s14] =	ssyncset.done $0x0  }
0x10f: {  	s25 =	ssub.s32 s12, s21;
	[sflag:s14] =	ssyncadd.s32 $0xFFFF6000  }
0x110: {  	[tilespmem:s28], [sflag:$0x5] =	stream.linear.gather [hbm4b:s20+s2], $0x280, $0x38;
	[tilespmem:$0x15180] =	vst v63  }
0x111: {  	s12 =	sshll.u32 s25, $0x6;
	_ =	swait.ge [sflag:s17], $0x280  }
0x112: {  	s12 =	sand.u32 $0x3FC0, s12;
	[sflag:s17] =	ssyncset.done $0x0  }
0x113: {  	s12 =	sadd.s32 s12, s1;
	[sflag:s17] =	ssyncadd.s32 $0xFFFFFD80  }
0x114: {  	[tilespmem:s29], [sflag:$0x5] =	stream.linear.gather [spmem:s12], $0xA000, $0x38;
	[tilespmem:$0x15180] =	vst v63  }
0x115: {  	_ =	swait.ge [sflag:s17], $0xA000  }
0x116: {  	[sflag:s17] =	ssyncset.done $0x0  }
0x117: {  	[sflag:s17] =	ssyncadd.s32 $0xFFFF6000  }
0x118: {  	[tilespmem:s29], [sflag:$0x2] =	stream.indirect.gather.add.f32 [hbm:s4], $0x40, s28, s19, $0xb8;
	[tilespmem:$0x15180] =	vst v63  }
0x119: {  	s26 =	simm.s32 $0x300;
	s30 =	simm.s32 $0xC500  }
0x11a: {  	[tilespmem:s30], [sflag:$0x2] =	stream.indirect.gather.add.f32 [hbm:s4], $0x40, s26, s19, $0xb8;
	[tilespmem:$0x15180] =	vst v63  }
0x11b: {  	s20 =	simm.s32 $0xE500;
	s12 =	simm.s32 $0x380  }
0x11c: {  	[tilespmem:s20], [sflag:$0x2] =	stream.indirect.gather.add.f32 [hbm:s4], $0x40, s12, s19, $0xb8;
	[tilespmem:$0x15180] =	vst v63  }
0x11d: {  	s22 =	simm.s32 $0x10500;
	s21 =	simm.s32 $0x400  }
0x11e: {  	[tilespmem:s22], [sflag:$0x2] =	stream.indirect.gather.add.f32 [hbm:s4], $0x40, s21, s19, $0xb8;
	[tilespmem:$0x15180] =	vst v63  }
0x11f: {  	s23 =	simm.s32 $0x480;
	s24 =	simm.s32 $0x12500  }
0x120: {  	[tilespmem:s24], [sflag:$0x2] =	stream.indirect.gather.add.f32 [hbm:s4], $0x40, s23, s19, $0xb8;
	[tilespmem:$0x15180] =	vst v63  }
0x121: {  	_ =	swait.ge [sflag:s11], $0x2000  }
0x122: {  	[sflag:s11] =	ssyncset.done $0x0  }
0x123: {  	[sflag:s11] =	ssyncadd.s32 $0xFFFFE000  }
0x124: {  	_ =	swait.ge [sflag:s11], $0x2000  }
0x125: {  	[sflag:s11] =	ssyncset.done $0x0  }
0x126: {  	[sflag:s11] =	ssyncadd.s32 $0xFFFFE000  }
0x127: {  	_ =	swait.ge [sflag:s11], $0x2000  }
0x128: {  	[sflag:s11] =	ssyncset.done $0x0  }
0x129: {  	[sflag:s11] =	ssyncadd.s32 $0xFFFFE000  }
0x12a: {  	_ =	swait.ge [sflag:s11], $0x2000  }
0x12b: {  	[sflag:s11] =	ssyncset.done $0x0  }
0x12c: {  	[sflag:s11] =	ssyncadd.s32 $0xFFFFE000  }
0x12d: {  	_ =	swait.ge [sflag:s11], $0x2000  }
0x12e: {  	[sflag:s11] =	ssyncset.done $0x0  }
0x12f: {  	[sflag:s11] =	ssyncadd.s32 $0xFFFFE000  }
0x130: {  	[hbm4b:s15+s2] =	stream.linear.scatter [tilespmem:s18], [sflag:$0x3], $0xA000, $0x38;
	[tilespmem:$0x15180] =	vst v63  }
0x131: {  	_ =	swait.ge [sflag:s6], $0xA000  }
0x132: {  	[sflag:s6] =	ssyncset.done $0x0  }
0x133: {  	[sflag:s6] =	ssyncadd.s32 $0xFFFF6000  }
0x134: {  	_ =	swait.ge [sflag:s16], $0x2000  }
0x135: {  	[sflag:s16] =	ssyncset.done $0x0  }
0x136: {  	[sflag:s16] =	ssyncadd.s32 $0xFFFFE000  }
0x137: {  	_ =	swait.ge [sflag:s16], $0x2000  }
0x138: {  	[sflag:s16] =	ssyncset.done $0x0  }
0x139: {  	[sflag:s16] =	ssyncadd.s32 $0xFFFFE000  }
0x13a: {  	_ =	swait.ge [sflag:s16], $0x2000  }
0x13b: {  	[sflag:s16] =	ssyncset.done $0x0  }
0x13c: {  	[sflag:s16] =	ssyncadd.s32 $0xFFFFE000  }
0x13d: {  	_ =	swait.ge [sflag:s16], $0x2000  }
0x13e: {  	[sflag:s16] =	ssyncset.done $0x0  }
0x13f: {  	[sflag:s16] =	ssyncadd.s32 $0xFFFFE000  }
0x140: {  	_ =	swait.ge [sflag:s16], $0x2000  }
0x141: {  	[sflag:s16] =	ssyncset.done $0x0  }
0x142: {  	s25 =	rddreg [dreg:$0x9];
	[sflag:s16] =	ssyncadd.s32 $0xFFFFE000  }
0x143: {  	[hbm4b:s25+s2] =	stream.linear.scatter [tilespmem:s29], [sflag:$0x4], $0xA000, $0x38;
	[tilespmem:$0x15180] =	vst v63  }
0x144: {  	_ =	swait.ge [sflag:s14], $0xA000  }
0x145: {  	s26 =	rddreg [dreg:$0xf]  }
0x146: {  	s30 =	rddreg [dreg:$0xa];
	s0 =	sadd.s32 $0x1, s26  }
0x147: {  	p1 =	sne.s32 s0, s30  }
.Ltmp1:
0x148: {  	_ = 	snop;
	(pc) =	sbr.rel @p1 .LBB2_1-.Ltmp1, $3  }
0x149: {  	_ =	sdelay $0x1  }
0x14a: {  	[sflag:s14] =	ssyncset.done $0x0  }
0x14b: {  	[sflag:s14] =	ssyncadd.s32 $0xFFFF6000  }
0x14c: {  	_ =	sfence.sel $0x180000  }
0x14d: {  	[bflag:$0x0] =	sbarrier.arrive $0xFFFF  }
0x14e: {  	_ =	strace $0x90000047  }
0x14f: {  	[bflag:$0x2] =	sbarrier.arrive $0xFFFF  }
0x150: {  	s0 =	rddreg [dreg:$0x3]  }
0x151: {  	s0 =	sadd.s32 @!p0 $0x100000, s0  }
0x152: {  	[sflag:s0] =	ssyncadd.tile.s32 @!p0 $0x1;
	_ =	shalt  }
.Lfunc_end2:
_tile_overlayer_lowered:
.L_overlay_start_2:
0x153: {  	(tag) =	ssettag $0x2  }
0x154: {  	s0 =	rddreg [dreg:$0x0];
	s2 =	stileid.u32  }
0x155: {  	s1 =	rddreg [dreg:$0x1];
	p0 =	sne.s32 s2, $0x0  }
0x156: {  	s3 =	rddreg [dreg:$0x2];
	[bflag:$0x3] =	sbarrier.arrive $0xFFFF;
	s2 =	simm.s32 @!p0 $0x1C05  }
0x157: {  	[timem:s3], [sflag:s2] =	dma.local @!p0 [hbm:s0], s1  }
0x158: {  	s0 =	simm.s32 @!p0 $0x5  }
0x159: {  	_ =	swait.ge @!p0 [sflag:s0], s1  }
0x15a: {  	s1 =	ssub.s32 @!p0 $0x0, s1;
	[sflag:s0] =	ssyncset.done @!p0 $0x0  }
0x15b: {  	[sflag:s0] =	ssyncadd.s32 @!p0 s1  }
0x15c: {  	[bflag:$0x3] =	sbarrier.arrive $0xFFFF  }
0x15d: {  	_ =	shalt  }

// kernel: sparse-core-data-format-call.cloned.1.call-start
scs
called_computation_lowered:
.L_overlay_start_0:
0x0: {  	s2 =	sld [smem:$0x3FD9]  }
0x1: {  	s3 =	sld [smem:$0x3FFE];
	_ =	sdelay $0x1  }
0x2: {  	s1 =	srdreg.scid  }
0x3: {  	s0 =	sand.u32 $0x1, s1  }
0x4: {  	s18 =	sshll.u32 s0, $0xA;
	s2 =	sadd.s32 s3, s2  }
0x5: {  	s2 =	sadd.s32 s2, s18  }
0x6: {  	[smem:$0x3FC6] =	sst s2  }
0x7: {  	_ = 	snop  }
0x8: {  	s2 =	sld [smem:$0x3FD0];
	(tm) =	ssettm $0x1  }
0x9: {  	s19 =	sld [smem:$0x3FFB];
	_ =	sdelay $0x3  }
0xa: {  	_ =	strace s19  }
0xb: {  	s3 =	sld [smem:$0x3FFC];
	_ =	sdelay $0x3  }
0xc: {  	_ =	strace s3  }
0xd: {  	s3 =	sld [smem:$0x3FFD];
	_ =	sdelay $0x3  }
0xe: {  	_ =	strace s3  }
0xf: {  	_ =	strace $0x8FFFFFFF  }
0x10: {  	s20 =	sld [smem:$0x3FDB];
	_ =	sdelay $0x1  }
0x11: {  	s4 =	simm.s32 $_scs_section_size  }
0x12: {  	s5 =	simm.s32 $_size__tile_overlayer_lowered;
	s6 =	simm.s32 $_tile_overlayer_lowered  }
0x13: {  	s23 =	simm.s32 $0x1BFF;
	s22 =	sshll.u32 s6, $0x1;
	s3 =	sadd.s32 s4, s20  }
0x14: {  	s7 =	simm.s32 $0x0;
	s21 =	sshll.u32 s5, $0x1;
	s5 =	sadd.s32 s22, s3  }
0x15: {  	[timem:s7], [sflag:s23] =	dma.local [hbm:s5], s21  }
0x16: {  	_ =	swait.ge [sflag:s23], s21  }
0x17: {  	s4 =	ssub.s32 $0x0, s21;
	[sflag:s23] =	ssyncset.done $0x0  }
0x18: {  	[sflag:s23] =	ssyncadd.s32 s4;
	_ =	sdelay $0x1  }
0x19: {  	s24 =	simm.s32 $0x1B8B  }
0x1a: {  	_ =	swait.ge [sflag:s24], $0x1  }
0x1b: {  	[sflag:s24] =	ssyncset.done $0x0  }
0x1c: {  	s26 =	simm.s32 $0x1B8E;
	s25 =	sld [smem:$0x3FFE];
	[sflag:s24] =	ssyncadd.s32 $0xFFFFFFFF  }
0x1d: {  	s27 =	simm.s32 $execute0_lowered;
	[smem:$0x3FD2] =	sst s26  }
0x1e: {  	s5 =	sshll.u32 s27, $0x1;
	_ =	strace $0x80000049;
	[dreg:$0x1] =	wrdreg $0xFFFFFFFF  }
0x1f: {  	s28 =	simm.s32 $_size_execute0_lowered;
	s3 =	sadd.s32 s3, s5;
	[dreg:$0x0] =	wrdreg $0x0  }
0x20: {  	s5 =	sshll.u32 s28, $0x1;
	[dreg:$0x2] =	wrdreg s3  }
0x21: {  	[dreg:$0x3] =	wrdreg s5  }
0x22: {  	[dreg:$0x4] =	wrdreg $0xC0  }
0x23: {  	_ =	task [dreg:s7], $0x5FFFF  }
0x24: {  	[dreg:$0x1] =	wrdreg $0xFFFFFFFF  }
0x25: {  	[dreg:$0x0] =	wrdreg $0x60  }
0x26: {  	[dreg:$0x2] =	wrdreg s25  }
0x27: {  	[dreg:$0x3] =	wrdreg s2  }
0x28: {  	[dreg:$0x4] =	wrdreg $0x9  }
0x29: {  	_ =	task.clear_ibuf [dreg:s7], $0x5FFFF;
	_ =	strace $0x90000049  }
0x2a: {  	s29 =	simm.s32 $0x9;
	_ =	strace $0x8000004B  }
0x2b: {  	_ =	swait.ge [sflag:s29], $0x1  }
0x2c: {  	[sflag:s29] =	ssyncadd.s32 $0xFFFFFFFF  }
0x2d: {  	_ =	strace $0x9000004B  }
0x2e: {  	_ =	sfence  }
0x2f: {  	s30 =	sld [smem:$0x0];
	_ =	sdelay $0x2  }
0x30: {  	s31 =	sshll.u32 s1, $0xD;
	s1 =	sshrl.u32 s1, $0x2  }
0x31: {  	s3 =	sand.u32 $0x4000, s31;
	s1 =	sadd.s32 s1, s30  }
0x32: {  	s0 =	sor.u32 s3, s0;
	s1 =	sshll.u32 s1, $0x11  }
0x33: {  	s0 =	sor.u32 s1, s0  }
0x34: {  	s0 =	sadd.s32 $0x8F2B, s0  }
0x35: {  	[sflag:s0] =	ssyncadd.remote.s32 $0x1  }
0x36: {  	_ =	sfence.sel $0xFFFF  }
0x37: {  	[dreg:$0x0] =	wrdreg $0xFFFFFFFF;
	(pc) =	sbr.abs _section_cstart, $3  }
0x38: {  	[dreg:$0x1] =	wrdreg $0xFFFFFFFF  }
0x39: {  	_ =	task.clear_ibuf [dreg:s7], $0x2FFFF;
	_ =	strace $0x9FFFFFFF  }
0x3a: {  	(tm) =	ssettm $0x7FFFFFFF  }
0x3b: {  	_ =	shalt  }
tec
execute0_lowered:
.L_overlay_start_1:
0x0: {  	(tag) =	ssettag $0x1  }
0x1: {  	s0 =	srdreg.scid  }
0x2: {  	s1 =	sshll.u32 s0, $0x4  }
0x3: {  	s0 =	stileid.u32;
	s1 =	sand.u32 $0x10, s1  }
0x4: {  	s1 =	sor.u32 s0, s1  }
0x5: {  	s6 =	rddreg [dreg:$0x0];
	s4 =	simm.s32 $0x1;
	s2 =	sshll.u32 s1, $0x7  }
0x6: {  	s7 =	simm.s32 $0x2;
	s12 =	simm.s32 $0x0;
	s1 =	ssub.s32 $0x1000, s2  }
0x7: {  	s8 =	simm.s32 $0x8000;
	s13 =	simm.s32 $0x0;
	s3 =	sand.u32 $0xF80, s1  }
0x8: {  	s9 =	simm.s32 $0x0;
	s5 =	sshrl.u32 s1, $0xC;
	p0 =	sne.s32 s3, $0x0  }
.Ltmp0:
0x9: {  	s1 =	rddreg [dreg:$0x2];
	s4 =	simm.s32 @!p0 $0x0;
	(pc) =	sbr.rel .LBB1_1-.Ltmp0, $4  }
0xa: {  	s11 =	simm.s32 $0x0;
	s3 =	rddreg [dreg:$0x1];
	s5 =	sadd.s32 s4, s5  }
0xb: {  	_ =	strace $0x8000004A;
	s4 =	simm.s32 $0x1;
	s5 =	smul.u32 $0xC8, s5  }
0xc: {  	s6 =	sadd.s32 $0xA00, s6;
	s10 =	smov.u32 s2;
	[sflag:s4] =	ssyncpa.u1 $0x0  }
0xd: {  	p0 =	por $0x0, $0x0;
	[sflag:s7] =	ssyncpa.u1 $0x0;
	s7 =	sor.u32 $0x1, s5  }
.LBB1_4:
0xe: {  	s16 =	sshll.u32 s13, $0x3;
	s17 =	sand.u32 $0x78, s13  }
0xf: {  	s30 =	sand.u32 $0x7E00, s13;
	s12 =	sshll.u32 s12, $0xF;
	s16 =	sand.u32 $0xC00, s16  }
0x10: {  	[tilespmem:s15+$0x810 ss:$0x81] =	vst.msk $0xffff, v2;
	s31 =	sand.u32 $0x7, s13;
	s16 =	sor.u32 s17, s16;
	s17 =	sadd.s32 s3, s30  }
0x11: {  	[tilespmem:s15+$0x1020 ss:$0x81] =	vst.msk $0xffff, v0;
	s13 =	sshll.u32 s31, $0x12;
	s12 =	sadd.s32 s12, s17;
	s16 =	sshrl.u32 s16, $0x3  }
0x12: {  	[tilespmem:s15+$0x0 ss:$0x81] =	vst.msk $0xffff, v1;
	s13 =	sor.u32 $0x400, s13;
	s12 =	sadd.s32 s16, s12  }
0x13: {  	[hbm4b:s12+s13] =	stream.strided.scatter [tilespmem:s14], [sflag:$0x2], $0x2000, s8, s13, $0x20;
	[tilespmem:$0x8080] =	vst v63  }
.LBB1_5:
0x14: {  	s14 =	sadd.s32 $0x1, s9  }
0x15: {  	s12 =	sadd.s32 $0x1000, s10;
	s16 =	smov.u32 s10;
	p2 =	sgt.s32 s14, $0xC7  }
0x16: {  	s16 =	smov.u32 @p2 s12  }
0x17: {  	s14 =	simm.s32 @p2 $0x0;
	p2 =	sgt.s32 s16, $0xFFF  }
0x18: {  	s16 =	smov.u32 @p2 s2;
	p2 =	sne.s32 s11, s7  }
.Ltmp1:
0x19: {  	p1 =	slt.u32 s11, $0x2;
	(pc) =	sbr.rel @!p2 .LBB1_6-.Ltmp1, $4  }
0x1a: {  	s15 =	simm.s32 @!p1 $0x2  }
0x1b: {  	s13 =	smov.u32 s10;
	p0 =	por !p0, !p0;
	_ =	swait.ge @!p1 [sflag:s15], $0x2000  }
0x1c: {  	s12 =	smov.u32 s9;
	[sflag:s15] =	ssyncset.done @!p1 $0x0;
	s9 =	smov.u32 s14  }
0x1d: {  	s11 =	sadd.s32 $0x1, s11;
	[sflag:s15] =	ssyncadd.s32 @!p1 $0xFFFFE000;
	s10 =	smov.u32 s16  }
.LBB1_1:
0x1e: {  	p1 =	sge.u32 s11, s5  }
0x1f: {  	s14 =	sand.u32 @!p1 $0x1FFFFFF, s9  }
0x20: {  	s15 =	smulhi.u32 @!p1 $0x147AE15, s14;
	_ =	sdelay $0x1  }
0x21: {  	s15 =	smul.u32 @!p1 $0xC8, s15  }
0x22: {  	s16 =	sxor.u32 @!p1 $0xFFFFFFFF, s11;
	s17 =	smul.u32 @!p1 $0xC80, s10  }
0x23: {  	s31 =	sadd.s32 $0xFFFFFFFF, s11;
	s16 =	sshll.u32 @!p1 s16, $0xD;
	s14 =	ssub.s32 @!p1 s14, s15  }
0x24: {  	s15 =	sand.u32 @!p1 $0x2000, s16;
	s16 =	sadd.s32 @!p1 s6, s17;
	s14 =	sshll.u32 @!p1 s14, $0x4  }
0x25: {  	s17 =	simm.s32 @!p1 $0x6400;
	s14 =	sadd.s32 @!p1 s14, s16;
	s16 =	simm.s32 @!p1 $0x40  }
0x26: {  	[tilespmem:s15], [sflag:$0x1] =	stream.strided.gather @!p1 [hbm4b:s14+s16], $0x2000, s17, s16, $0x38;
	[tilespmem:$0x8080] =	vst v63  }
0x27: {  	p1 =	sge.u32 s31, s5  }
.Ltmp2:
0x28: {  	_ = 	snop;
	(pc) =	sbr.rel @p1 .LBB1_5-.Ltmp2, $1  }
0x29: {  	_ =	sdelay $0x3  }
0x2a: {  	s14 =	simm.s32 $0x1  }
0x2b: {  	_ =	swait.ge [sflag:s4], $0x2000;
	s14 =	simm.s32 @!p0 $0x0  }
0x2c: {  	[sflag:s4] =	ssyncset.done $0x0;
	s15 =	sshll.u32 s14, $0xD  }
0x2d: {  	[sflag:s4] =	ssyncadd.s32 $0xFFFFE000;
	s18 =	sor.u32 $0x20, s15  }
0x2e: {  	s14 =	smul.u32 $0x8100, s14;
	v3 =	vld [tilespmem:s18+$0x10]  }
0x2f: {  	s30 =	sand.u32 $0x1, s11;
	v2 =	vld [tilespmem:s18+$0xFFFFFFF0]  }
0x30: {  	s15 =	smul.u32 $0x8100, s30;
	s14 =	sshrl.u32 s14, $0x2;
	v0 =	vld [tilespmem:s18+$0x0]  }
0x31: {  	v1 =	vld [tilespmem:s18+$0xFFFFFFE0];
	s16 =	sor.u32 $0x4000, s14  }
0x32: {  	s31 =	sshrl.u32 s15, $0x2;
	s15 =	sadd.s32 $0x0, s16  }
0x33: {  	s17 =	simm.s32 $0x4;
	s18 =	sadd.s32 $0x40, s18;
	s14 =	sor.u32 $0x4000, s31;
	[tilespmem:s15+$0x1830 ss:$0x81] =	vst.msk $0xffff, v3  }
.LBB1_3:
0x34: {  	v3 =	vld [tilespmem:s18+$0x10];
	p1 =	sne.s32 s17, $0x1FC;
	[tilespmem:s15+$0x810 ss:$0x81] =	vst.msk $0xffff, v2;
	s19 =	smov.u32 s17;
	s17 =	sadd.s32 $0x4, s17  }
.Ltmp3:
0x35: {  	v2 =	vld [tilespmem:s18+$0xFFFFFFF0];
	[tilespmem:s15+$0x1020 ss:$0x81] =	vst.msk $0xffff, v0;
	(pc) =	sbr.rel @p1 .LBB1_3-.Ltmp3, $4  }
0x36: {  	v0 =	vld [tilespmem:s18+$0x0];
	[tilespmem:s15+$0x0 ss:$0x81] =	vst.msk $0xffff, v1  }
0x37: {  	s15 =	sshra.s32 s19, $0x2;
	v1 =	vld [tilespmem:s18+$0xFFFFFFE0]  }
0x38: {  	s15 =	sadd.s32 s15, s16  }
0x39: {  	s18 =	sadd.s32 $0x40, s18;
	[tilespmem:s15+$0x1830 ss:$0x81] =	vst.msk $0xffff, v3  }
.Ltmp4:
0x3a: {  	_ = 	snop;
	(pc) =	sbr.rel .LBB1_4-.Ltmp4, $1  }
0x3b: {  	_ =	sdelay $0x3  }
.LBB1_6:
0x3c: {  	_ =	sfence.sel $0x180000  }
0x3d: {  	s2 =	simm.s32 $0x1;
	[bflag:$0x0] =	sbarrier.arrive $0xFFFF  }
0x3e: {  	s31 =	simm.s32 $0x2;
	[sflag:s2] =	ssyncpa.u1 $0x1  }
0x3f: {  	[sflag:s31] =	ssyncpa.u1 $0x1  }
0x40: {  	p0 =	sne.s32 s0, $0x0;
	_ =	strace $0x9000004A  }
0x41: {  	s0 =	sadd.s32 @!p0 $0x100000, s1;
	[bflag:$0x2] =	sbarrier.arrive $0xFFFF  }
0x42: {  	[sflag:s0] =	ssyncadd.tile.s32 @!p0 $0x1;
	_ =	shalt  }
.Lfunc_end1:
_tile_overlayer_lowered:
.L_overlay_start_2:
0x43: {  	(tag) =	ssettag $0x2  }
0x44: {  	s0 =	rddreg [dreg:$0x0];
	s2 =	stileid.u32  }
0x45: {  	s1 =	rddreg [dreg:$0x1];
	p0 =	sne.s32 s2, $0x0  }
0x46: {  	s3 =	rddreg [dreg:$0x2];
	[bflag:$0x3] =	sbarrier.arrive $0xFFFF;
	s2 =	simm.s32 @!p0 $0x1C01  }
0x47: {  	[timem:s3], [sflag:s2] =	dma.local @!p0 [hbm:s0], s1  }
0x48: {  	s0 =	simm.s32 @!p0 $0x1  }
0x49: {  	_ =	swait.ge @!p0 [sflag:s0], s1  }
0x4a: {  	s1 =	ssub.s32 @!p0 $0x0, s1;
	[sflag:s0] =	ssyncset.done @!p0 $0x0  }
0x4b: {  	[sflag:s0] =	ssyncadd.s32 @!p0 s1  }
0x4c: {  	[bflag:$0x3] =	sbarrier.arrive $0xFFFF  }
0x4d: {  	_ =	shalt  }

</sc_bundles>
